<compile_context>
chip_gen: v7x
topology: tpu7x:2x2x1
jax: 0.10.2.dev20260603
libtpu: 0.0.44.dev20260713+nightly
codegen_flags: <defaults>
</compile_context>

<pallas_src>
import jax
import jax.numpy as jnp
from jax import lax
from jax.experimental import pallas as pl
from jax.experimental.pallas import tpu as pltpu
from jax.experimental.pallas import tpu_sc as plsc

BATCH = 4096
D_IN = 8192
D_FEATURES = 1024

NUM_CORES = 2
NUM_SUBCORES = 16
NUM_WORKERS = NUM_CORES * NUM_SUBCORES
LANES = 16

ROWS_PER_WORKER = BATCH // NUM_WORKERS
R = 4
GROUPS = ROWS_PER_WORKER // R
J_CHUNKS = D_IN // LANES

SIGN_BIT = -2147483648
IDX_MASK = 0x7FFFFFFF


def _sc_body(x_hbm, s_hbm, ih_hbm, out_hbm, idx_v, s_v, xbuf,
             accs0, accs1, sem_in, sem_out0, sem_out1):
    cid = lax.axis_index("c")
    sid = lax.axis_index("s")
    wid = sid * NUM_CORES + cid
    base = wid * ROWS_PER_WORKER

    acc_sets = (accs0, accs1)
    out_sems = (sem_out0, sem_out1)

    pltpu.sync_copy(ih_hbm, idx_v)
    pltpu.sync_copy(s_hbm, s_v)

    @plsc.parallel_loop(0, J_CHUNKS, unroll=4)
    def _(k):
        off = k * LANES
        f = idx_v[pl.ds(off, LANES)]
        sv = s_v[pl.ds(off, LANES)]
        sgn = plsc.bitcast(sv, jnp.int32) & SIGN_BIT
        idx_v[pl.ds(off, LANES)] = f | sgn

    zero16 = jnp.zeros((LANES,), jnp.float32)

    pltpu.async_copy(x_hbm.at[pl.ds(base, R)], xbuf.at[0], sem_in)

    def outer_body(i, _):
        for b in range(2):
            g = i * 2 + b
            row0 = base + g * R
            accs = acc_sets[b]
            osem = out_sems[b]

            @pl.when(g + 1 < GROUPS)
            def _():
                pltpu.async_copy(
                    x_hbm.at[pl.ds(row0 + R, R)], xbuf.at[1 - b], sem_in)

            @pl.when(g >= 2)
            def _():
                for r in range(R):
                    pltpu.make_async_copy(
                        accs[r], out_hbm.at[row0 - 2 * R + r], osem).wait()

            @plsc.parallel_loop(0, D_FEATURES // LANES, unroll=4)
            def _(k):
                off = k * LANES
                for r in range(R):
                    accs[r][pl.ds(off, LANES)] = zero16

            pltpu.make_async_copy(
                x_hbm.at[pl.ds(row0, R)], xbuf.at[b], sem_in).wait()

            @plsc.parallel_loop(0, J_CHUNKS, unroll=8)
            def _(jc):
                jj = jc * LANES
                pk = idx_v[pl.ds(jj, LANES)]
                idx = pk & IDX_MASK
                sgn = pk & SIGN_BIT
                for r in range(R):
                    v = xbuf[b, r, pl.ds(jj, LANES)]
                    vs = plsc.bitcast(
                        plsc.bitcast(v, jnp.int32) ^ sgn, jnp.float32)
                    plsc.addupdate_scatter(accs[r], [idx], vs)

            for r in range(R):
                pltpu.async_copy(accs[r], out_hbm.at[row0 + r], osem)
        return ()

    lax.fori_loop(0, GROUPS // 2, outer_body, ())

    last = base + ROWS_PER_WORKER - 2 * R
    for b in range(2):
        for r in range(R):
            pltpu.make_async_copy(
                acc_sets[b][r], out_hbm.at[last + b * R + r],
                out_sems[b]).wait()


@jax.jit
def _count_sketch(x, s_hash, i_hash):
    mesh = plsc.VectorSubcoreMesh(
        core_axis_name="c", subcore_axis_name="s",
        num_cores=NUM_CORES, num_subcores=NUM_SUBCORES,
    )
    f = pl.kernel(
        _sc_body,
        out_type=jax.ShapeDtypeStruct((BATCH, D_FEATURES), jnp.float32),
        mesh=mesh,
        scratch_types=[
            pltpu.VMEM((D_IN,), jnp.int32),
            pltpu.VMEM((D_IN,), jnp.float32),
            pltpu.VMEM((2, R, D_IN), jnp.float32),
            [pltpu.VMEM((D_FEATURES,), jnp.float32) for _ in range(R)],
            [pltpu.VMEM((D_FEATURES,), jnp.float32) for _ in range(R)],
            pltpu.SemaphoreType.DMA,
            pltpu.SemaphoreType.DMA,
            pltpu.SemaphoreType.DMA,
        ],
        compiler_params=pltpu.CompilerParams(needs_layout_passes=False),
    )
    return f(x, s_hash, i_hash)


def kernel(x, s_hash, i_hash):
    original_shape = (*x.shape[:-1], D_FEATURES)
    x2 = x.reshape(-1, x.shape[-1])
    out = _count_sketch(x2, s_hash.astype(jnp.float32),
                        i_hash.astype(jnp.int32))
    return out.reshape(original_shape)

# --- scband reference (transcript-rebuilt; emitter-appended) ---
"""Pipeline reference for scband-count-sketch-1769526526742 (READ-ONLY COPY).

The authoritative reference and input builder live on the scoring server;
editing this copy changes nothing except your own understanding.
"""

import jax, jax.numpy as jnp
import numpy as np

D_IN = 8192
D_FEATURES = 1024
BATCH = 4096


def setup_inputs(seed: int = 0) -> dict:
    key = jax.random.key(seed)
    k1, k2, k3 = jax.random.split(key, 3)
    x = jax.random.normal(k1, (BATCH, D_IN), dtype=jnp.float32)
    # i_hash: hash bucket for each input dim, in [0, d_features)
    i_hash = jax.random.randint(k2, (D_IN,), 0, D_FEATURES)
    # s_hash: Rademacher signs (+1/-1)
    support = jnp.array([1.0, -1.0], dtype=jnp.float32)
    s_hash = support[jax.random.randint(k3, (D_IN,), 0, 2)]
    return {"x": x, "s_hash": s_hash, "i_hash": i_hash}


def reference(x, s_hash, i_hash):
    # CountSketch, sketch_type='scatter', real weights.
    original_shape = (*x.shape[:-1], D_FEATURES)
    x2 = x.reshape(-1, x.shape[-1])
    # output[b, i_hash[j]] += x[b, j] * s_hash[j]  (scatter-add along last dim)
    xs = x2 * s_hash
    out = jnp.zeros((x2.shape[0], D_FEATURES), dtype=jnp.float32)
    out = out.at[:, i_hash].add(xs)
    return out.reshape(original_shape)

if __name__ == "__main__":
    import jax
    _d = setup_inputs()
    print(jax.jit(kernel)(*tuple(_d.values())))

</pallas_src>

<mosaic_0001>
#map = affine_map<(d0, d1) -> (0, 0)>
#map1 = affine_map<(d0, d1) -> (0)>
module attributes {stable_mosaic.version = 14 : i64} {
  func.func @_sc_body(%arg0: i32, %arg1: i32, %arg2: memref<4096x8192xf32, #tpu.memory_space<hbm>>, %arg3: memref<8192xf32, #tpu.memory_space<hbm>>, %arg4: memref<8192xi32, #tpu.memory_space<hbm>>, %arg5: memref<4096x1024xf32, #tpu.memory_space<hbm>>, %arg6: memref<8192xi32, #tpu.memory_space<vmem>>, %arg7: memref<8192xf32, #tpu.memory_space<vmem>>, %arg8: memref<2x4x8192xf32, #tpu.memory_space<vmem>>, %arg9: memref<1024xf32, #tpu.memory_space<vmem>>, %arg10: memref<1024xf32, #tpu.memory_space<vmem>>, %arg11: memref<1024xf32, #tpu.memory_space<vmem>>, %arg12: memref<1024xf32, #tpu.memory_space<vmem>>, %arg13: memref<1024xf32, #tpu.memory_space<vmem>>, %arg14: memref<1024xf32, #tpu.memory_space<vmem>>, %arg15: memref<1024xf32, #tpu.memory_space<vmem>>, %arg16: memref<1024xf32, #tpu.memory_space<vmem>>, %arg17: memref<!tpu.dma_semaphore, #tpu.memory_space<semaphore_mem>>, %arg18: memref<!tpu.dma_semaphore, #tpu.memory_space<semaphore_mem>>, %arg19: memref<!tpu.dma_semaphore, #tpu.memory_space<semaphore_mem>>) attributes {dimension_semantics = [#tpu.dimension_semantics<core_parallel>, #tpu.dimension_semantics<subcore_parallel>], iteration_bounds = array<i64: 2, 16>, scalar_prefetch = 0 : i64, scratch_operands = 14 : i64, tpu.core_type = #tpu.core_type<sc_vector_subcore>, window_params = [{transform_indices = #map}, {transform_indices = #map1}, {transform_indices = #map1}, {transform_indices = #map}]} {
    %mul3A = arith.constant 2 : i32
    %mul3A_0 = arith.muli %arg1, %mul3A : i32
    %add3A = arith.addi %mul3A_0, %arg0 : i32
    %mul3A_1 = arith.constant 128 : i32
    %mul3A_2 = arith.muli %add3A, %mul3A_1 : i32
    "tpu.region"() ({
      %run_scoped3A = tpu.sem_alloc : memref<!tpu.dma_semaphore, #tpu.memory_space<semaphore_mem>>
      tpu.enqueue_dma source(%arg4 : memref<8192xi32, #tpu.memory_space<hbm>>) target(%arg6 : memref<8192xi32, #tpu.memory_space<vmem>>) target_semaphore(%run_scoped3A : memref<!tpu.dma_semaphore, #tpu.memory_space<semaphore_mem>>)
      tpu.wait_dma2 semaphore(%run_scoped3A : memref<!tpu.dma_semaphore, #tpu.memory_space<semaphore_mem>>) src(%arg4 : memref<8192xi32, #tpu.memory_space<hbm>>) dst(%arg6 : memref<8192xi32, #tpu.memory_space<vmem>>)
      tpu.yield
    }) : () -> ()
    "tpu.region"() ({
      %run_scoped3A = tpu.sem_alloc : memref<!tpu.dma_semaphore, #tpu.memory_space<semaphore_mem>>
      tpu.enqueue_dma source(%arg3 : memref<8192xf32, #tpu.memory_space<hbm>>) target(%arg7 : memref<8192xf32, #tpu.memory_space<vmem>>) target_semaphore(%run_scoped3A : memref<!tpu.dma_semaphore, #tpu.memory_space<semaphore_mem>>)
      tpu.wait_dma2 semaphore(%run_scoped3A : memref<!tpu.dma_semaphore, #tpu.memory_space<semaphore_mem>>) src(%arg3 : memref<8192xf32, #tpu.memory_space<hbm>>) dst(%arg7 : memref<8192xf32, #tpu.memory_space<vmem>>)
      tpu.yield
    }) : () -> ()
    %parallel_loop3A = arith.constant 0 : i32
    %parallel_loop3A_3 = arith.constant 512 : i32
    %parallel_loop3A_4 = arith.constant 1 : i32
    scf.for %parallel_loop3A_104 = %parallel_loop3A to %parallel_loop3A_3 step %parallel_loop3A_4  : i32 {
      %parallel_loop3A_105 = arith.constant 16 : i32
      %parallel_loop3A_106 = arith.muli %parallel_loop3A_104, %parallel_loop3A_105 : i32
      %parallel_loop3A_107 = arith.index_cast %parallel_loop3A_106 : i32 to index
      %parallel_loop3A_108 = tpu.vector_load %arg6[%parallel_loop3A_107] {strides = array<i32>} : memref<8192xi32, #tpu.memory_space<vmem>>, vector<16xi32>,
      %parallel_loop3A_109 = arith.index_cast %parallel_loop3A_106 : i32 to index
      %parallel_loop3A_110 = tpu.vector_load %arg7[%parallel_loop3A_109] {strides = array<i32>} : memref<8192xf32, #tpu.memory_space<vmem>>, vector<16xf32>,
      %parallel_loop3A_111 = vector.bitcast %parallel_loop3A_110 : vector<16xf32> to vector<16xi32>
      %parallel_loop3A_112 = arith.constant -2147483648 : i32
      %parallel_loop3A_113 = vector.broadcast %parallel_loop3A_112 : i32 to vector<16xi32>
      %parallel_loop3A_114 = arith.andi %parallel_loop3A_111, %parallel_loop3A_113 : vector<16xi32>
      %parallel_loop3A_115 = arith.ori %parallel_loop3A_108, %parallel_loop3A_114 : vector<16xi32>
      %parallel_loop3A_116 = arith.index_cast %parallel_loop3A_106 : i32 to index
      %parallel_loop3A_117 = tpu.vector_load %arg6[%parallel_loop3A_116] {strides = array<i32>} : memref<8192xi32, #tpu.memory_space<vmem>>, vector<16xi32>,
      tpu.vector_store %arg6[%parallel_loop3A_116], %parallel_loop3A_115 {strides = array<i32>} : memref<8192xi32, #tpu.memory_space<vmem>>, vector<16xi32>,
    } {sc.loop_unroll_factor = 4 : i64, sc.parallel_access}
    %broadcast_in_dim3A = arith.constant 0.000000e+00 : f32
    %broadcast_in_dim3A_5 = vector.broadcast %broadcast_in_dim3A : f32 to vector<16xf32>
    %dma_start3A = arith.constant 0 : i32
    %dma_start3A_6 = arith.constant 0 : i32
    %dma_start3A_7 = arith.constant 0 : i32
    %dma_start3A_8 = tpu.memref_slice %arg8[%dma_start3A, %dma_start3A_6, %dma_start3A_7] : memref<2x4x8192xf32, #tpu.memory_space<vmem>> -> memref<1x4x8192xf32, #tpu.memory_space<vmem>>
    %dma_start3A_9 = tpu.memref_squeeze %dma_start3A_8 : memref<1x4x8192xf32, #tpu.memory_space<vmem>> -> memref<4x8192xf32, #tpu.memory_space<vmem>>
    %dma_start3A_10 = arith.constant 0 : i32
    %dma_start3A_11 = tpu.memref_slice %arg2[%mul3A_2, %dma_start3A_10] : memref<4096x8192xf32, #tpu.memory_space<hbm>> -> memref<4x8192xf32, #tpu.memory_space<hbm>>
    %dma_start3A_12 = arith.constant 0 : i32
    %dma_start3A_13 = arith.constant 0 : i32
    %dma_start3A_14 = tpu.memref_slice %arg8[%dma_start3A, %dma_start3A_12, %dma_start3A_13] : memref<2x4x8192xf32, #tpu.memory_space<vmem>> -> memref<1x4x8192xf32, #tpu.memory_space<vmem>>
    %dma_start3A_15 = tpu.memref_squeeze %dma_start3A_14 : memref<1x4x8192xf32, #tpu.memory_space<vmem>> -> memref<4x8192xf32, #tpu.memory_space<vmem>>
    %dma_start3A_16 = arith.constant 0 : i32
    %dma_start3A_17 = tpu.memref_slice %arg2[%mul3A_2, %dma_start3A_16] : memref<4096x8192xf32, #tpu.memory_space<hbm>> -> memref<4x8192xf32, #tpu.memory_space<hbm>>
    tpu.enqueue_dma source(%dma_start3A_17 : memref<4x8192xf32, #tpu.memory_space<hbm>>) target(%dma_start3A_15 : memref<4x8192xf32, #tpu.memory_space<vmem>>) target_semaphore(%arg17 : memref<!tpu.dma_semaphore, #tpu.memory_space<semaphore_mem>>)
    %scan3A = arith.constant 0 : i32
    %scan3A_18 = arith.constant 16 : i32
    %scan3A_19 = arith.addi %scan3A, %scan3A_18 : i32
    %scan3A_20 = arith.constant 1 : i32
    scf.for %scan3A_104 = %scan3A to %scan3A_19 step %scan3A_20  : i32 {
      %mul3A_105 = arith.constant 2 : i32
      %mul3A_106 = arith.muli %scan3A_104, %mul3A_105 : i32
      %add3A_107 = arith.constant 0 : i32
      %add3A_108 = arith.addi %mul3A_106, %add3A_107 : i32
      %mul3A_109 = arith.constant 4 : i32
      %mul3A_110 = arith.muli %add3A_108, %mul3A_109 : i32
      %add3A_111 = arith.addi %mul3A_2, %mul3A_110 : i32
      %add3A_112 = arith.constant 1 : i32
      %add3A_113 = arith.addi %add3A_108, %add3A_112 : i32
      %lt3A = arith.constant 32 : i32
      %lt3A_114 = arith.cmpi slt, %add3A_113, %lt3A : i32
      %convert_element_type3A = arith.extui %lt3A_114 : i1 to i32
      %cond3A = arith.constant 0 : i32
      %cond3A_115 = arith.cmpi ne, %convert_element_type3A, %cond3A : i32
      scf.if %cond3A_115 {
        %add3A_241 = arith.constant 4 : i32
        %add3A_242 = arith.addi %add3A_111, %add3A_241 : i32
        %dma_start3A_243 = arith.constant 1 : i32
        %dma_start3A_244 = arith.constant 0 : i32
        %dma_start3A_245 = arith.constant 0 : i32
        %dma_start3A_246 = tpu.memref_slice %arg8[%dma_start3A_243, %dma_start3A_244, %dma_start3A_245] : memref<2x4x8192xf32, #tpu.memory_space<vmem>> -> memref<1x4x8192xf32, #tpu.memory_space<vmem>>
        %dma_start3A_247 = tpu.memref_squeeze %dma_start3A_246 : memref<1x4x8192xf32, #tpu.memory_space<vmem>> -> memref<4x8192xf32, #tpu.memory_space<vmem>>
        %dma_start3A_248 = arith.constant 0 : i32
        %dma_start3A_249 = tpu.memref_slice %arg2[%add3A_242, %dma_start3A_248] : memref<4096x8192xf32, #tpu.memory_space<hbm>> -> memref<4x8192xf32, #tpu.memory_space<hbm>>
        %dma_start3A_250 = arith.constant 0 : i32
        %dma_start3A_251 = arith.constant 0 : i32
        %dma_start3A_252 = tpu.memref_slice %arg8[%dma_start3A_243, %dma_start3A_250, %dma_start3A_251] : memref<2x4x8192xf32, #tpu.memory_space<vmem>> -> memref<1x4x8192xf32, #tpu.memory_space<vmem>>
        %dma_start3A_253 = tpu.memref_squeeze %dma_start3A_252 : memref<1x4x8192xf32, #tpu.memory_space<vmem>> -> memref<4x8192xf32, #tpu.memory_space<vmem>>
        %dma_start3A_254 = arith.constant 0 : i32
        %dma_start3A_255 = tpu.memref_slice %arg2[%add3A_242, %dma_start3A_254] : memref<4096x8192xf32, #tpu.memory_space<hbm>> -> memref<4x8192xf32, #tpu.memory_space<hbm>>
        tpu.enqueue_dma source(%dma_start3A_255 : memref<4x8192xf32, #tpu.memory_space<hbm>>) target(%dma_start3A_253 : memref<4x8192xf32, #tpu.memory_space<vmem>>) target_semaphore(%arg17 : memref<!tpu.dma_semaphore, #tpu.memory_space<semaphore_mem>>)
      } else {
      }
      %ge3A = arith.constant 2 : i32
      %ge3A_116 = arith.cmpi sge, %add3A_108, %ge3A : i32
      %convert_element_type3A_117 = arith.extui %ge3A_116 : i1 to i32
      %cond3A_118 = arith.constant 0 : i32
      %cond3A_119 = arith.cmpi ne, %convert_element_type3A_117, %cond3A_118 : i32
      scf.if %cond3A_119 {
        %sub3A_241 = arith.constant 8 : i32
        %sub3A_242 = arith.subi %add3A_111, %sub3A_241 : i32
        %add3A_243 = arith.constant 0 : i32
        %add3A_244 = arith.addi %sub3A_242, %add3A_243 : i32
        %dma_wait3A_245 = arith.constant 0 : i32
        %dma_wait3A_246 = tpu.memref_slice %arg5[%add3A_244, %dma_wait3A_245] : memref<4096x1024xf32, #tpu.memory_space<hbm>> -> memref<1x1024xf32, #tpu.memory_space<hbm>>
        %dma_wait3A_247 = tpu.memref_squeeze %dma_wait3A_246 : memref<1x1024xf32, #tpu.memory_space<hbm>> -> memref<1024xf32, #tpu.memory_space<hbm>>
        %dma_wait3A_248 = arith.constant 0 : i32
        %dma_wait3A_249 = tpu.memref_slice %arg5[%add3A_244, %dma_wait3A_248] : memref<4096x1024xf32, #tpu.memory_space<hbm>> -> memref<1x1024xf32, #tpu.memory_space<hbm>>
        %dma_wait3A_250 = tpu.memref_squeeze %dma_wait3A_249 : memref<1x1024xf32, #tpu.memory_space<hbm>> -> memref<1024xf32, #tpu.memory_space<hbm>>
        tpu.wait_dma2 semaphore(%arg18 : memref<!tpu.dma_semaphore, #tpu.memory_space<semaphore_mem>>) src(%arg9 : memref<1024xf32, #tpu.memory_space<vmem>>) dst(%dma_wait3A_250 : memref<1024xf32, #tpu.memory_space<hbm>>)
        %sub3A_251 = arith.constant 8 : i32
        %sub3A_252 = arith.subi %add3A_111, %sub3A_251 : i32
        %add3A_253 = arith.constant 1 : i32
        %add3A_254 = arith.addi %sub3A_252, %add3A_253 : i32
        %dma_wait3A_255 = arith.constant 0 : i32
        %dma_wait3A_256 = tpu.memref_slice %arg5[%add3A_254, %dma_wait3A_255] : memref<4096x1024xf32, #tpu.memory_space<hbm>> -> memref<1x1024xf32, #tpu.memory_space<hbm>>
        %dma_wait3A_257 = tpu.memref_squeeze %dma_wait3A_256 : memref<1x1024xf32, #tpu.memory_space<hbm>> -> memref<1024xf32, #tpu.memory_space<hbm>>
        %dma_wait3A_258 = arith.constant 0 : i32
        %dma_wait3A_259 = tpu.memref_slice %arg5[%add3A_254, %dma_wait3A_258] : memref<4096x1024xf32, #tpu.memory_space<hbm>> -> memref<1x1024xf32, #tpu.memory_space<hbm>>
        %dma_wait3A_260 = tpu.memref_squeeze %dma_wait3A_259 : memref<1x1024xf32, #tpu.memory_space<hbm>> -> memref<1024xf32, #tpu.memory_space<hbm>>
        tpu.wait_dma2 semaphore(%arg18 : memref<!tpu.dma_semaphore, #tpu.memory_space<semaphore_mem>>) src(%arg10 : memref<1024xf32, #tpu.memory_space<vmem>>) dst(%dma_wait3A_260 : memref<1024xf32, #tpu.memory_space<hbm>>)
        %sub3A_261 = arith.constant 8 : i32
        %sub3A_262 = arith.subi %add3A_111, %sub3A_261 : i32
        %add3A_263 = arith.constant 2 : i32
        %add3A_264 = arith.addi %sub3A_262, %add3A_263 : i32
        %dma_wait3A_265 = arith.constant 0 : i32
        %dma_wait3A_266 = tpu.memref_slice %arg5[%add3A_264, %dma_wait3A_265] : memref<4096x1024xf32, #tpu.memory_space<hbm>> -> memref<1x1024xf32, #tpu.memory_space<hbm>>
        %dma_wait3A_267 = tpu.memref_squeeze %dma_wait3A_266 : memref<1x1024xf32, #tpu.memory_space<hbm>> -> memref<1024xf32, #tpu.memory_space<hbm>>
        %dma_wait3A_268 = arith.constant 0 : i32
        %dma_wait3A_269 = tpu.memref_slice %arg5[%add3A_264, %dma_wait3A_268] : memref<4096x1024xf32, #tpu.memory_space<hbm>> -> memref<1x1024xf32, #tpu.memory_space<hbm>>
        %dma_wait3A_270 = tpu.memref_squeeze %dma_wait3A_269 : memref<1x1024xf32, #tpu.memory_space<hbm>> -> memref<1024xf32, #tpu.memory_space<hbm>>
        tpu.wait_dma2 semaphore(%arg18 : memref<!tpu.dma_semaphore, #tpu.memory_space<semaphore_mem>>) src(%arg11 : memref<1024xf32, #tpu.memory_space<vmem>>) dst(%dma_wait3A_270 : memref<1024xf32, #tpu.memory_space<hbm>>)
        %sub3A_271 = arith.constant 8 : i32
        %sub3A_272 = arith.subi %add3A_111, %sub3A_271 : i32
        %add3A_273 = arith.constant 3 : i32
        %add3A_274 = arith.addi %sub3A_272, %add3A_273 : i32
        %dma_wait3A_275 = arith.constant 0 : i32
        %dma_wait3A_276 = tpu.memref_slice %arg5[%add3A_274, %dma_wait3A_275] : memref<4096x1024xf32, #tpu.memory_space<hbm>> -> memref<1x1024xf32, #tpu.memory_space<hbm>>
        %dma_wait3A_277 = tpu.memref_squeeze %dma_wait3A_276 : memref<1x1024xf32, #tpu.memory_space<hbm>> -> memref<1024xf32, #tpu.memory_space<hbm>>
        %dma_wait3A_278 = arith.constant 0 : i32
        %dma_wait3A_279 = tpu.memref_slice %arg5[%add3A_274, %dma_wait3A_278] : memref<4096x1024xf32, #tpu.memory_space<hbm>> -> memref<1x1024xf32, #tpu.memory_space<hbm>>
        %dma_wait3A_280 = tpu.memref_squeeze %dma_wait3A_279 : memref<1x1024xf32, #tpu.memory_space<hbm>> -> memref<1024xf32, #tpu.memory_space<hbm>>
        tpu.wait_dma2 semaphore(%arg18 : memref<!tpu.dma_semaphore, #tpu.memory_space<semaphore_mem>>) src(%arg12 : memref<1024xf32, #tpu.memory_space<vmem>>) dst(%dma_wait3A_280 : memref<1024xf32, #tpu.memory_space<hbm>>)
      } else {
      }
      %parallel_loop3A_120 = arith.constant 0 : i32
      %parallel_loop3A_121 = arith.constant 64 : i32
      %parallel_loop3A_122 = arith.constant 1 : i32
      scf.for %parallel_loop3A_241 = %parallel_loop3A_120 to %parallel_loop3A_121 step %parallel_loop3A_122  : i32 {
        %parallel_loop3A_242 = arith.constant 16 : i32
        %parallel_loop3A_243 = arith.muli %parallel_loop3A_241, %parallel_loop3A_242 : i32
        %parallel_loop3A_244 = arith.index_cast %parallel_loop3A_243 : i32 to index
        %parallel_loop3A_245 = tpu.vector_load %arg9[%parallel_loop3A_244] {strides = array<i32>} : memref<1024xf32, #tpu.memory_space<vmem>>, vector<16xf32>,
        tpu.vector_store %arg9[%parallel_loop3A_244], %broadcast_in_dim3A_5 {strides = array<i32>} : memref<1024xf32, #tpu.memory_space<vmem>>, vector<16xf32>,
        %parallel_loop3A_246 = arith.index_cast %parallel_loop3A_243 : i32 to index
        %parallel_loop3A_247 = tpu.vector_load %arg10[%parallel_loop3A_246] {strides = array<i32>} : memref<1024xf32, #tpu.memory_space<vmem>>, vector<16xf32>,
        tpu.vector_store %arg10[%parallel_loop3A_246], %broadcast_in_dim3A_5 {strides = array<i32>} : memref<1024xf32, #tpu.memory_space<vmem>>, vector<16xf32>,
        %parallel_loop3A_248 = arith.index_cast %parallel_loop3A_243 : i32 to index
        %parallel_loop3A_249 = tpu.vector_load %arg11[%parallel_loop3A_248] {strides = array<i32>} : memref<1024xf32, #tpu.memory_space<vmem>>, vector<16xf32>,
        tpu.vector_store %arg11[%parallel_loop3A_248], %broadcast_in_dim3A_5 {strides = array<i32>} : memref<1024xf32, #tpu.memory_space<vmem>>, vector<16xf32>,
        %parallel_loop3A_250 = arith.index_cast %parallel_loop3A_243 : i32 to index
        %parallel_loop3A_251 = tpu.vector_load %arg12[%parallel_loop3A_250] {strides = array<i32>} : memref<1024xf32, #tpu.memory_space<vmem>>, vector<16xf32>,
        tpu.vector_store %arg12[%parallel_loop3A_250], %broadcast_in_dim3A_5 {strides = array<i32>} : memref<1024xf32, #tpu.memory_space<vmem>>, vector<16xf32>,
      } {sc.loop_unroll_factor = 4 : i64, sc.parallel_access}
      %dma_wait3A_123 = arith.constant 0 : i32
      %dma_wait3A_124 = arith.constant 0 : i32
      %dma_wait3A_125 = arith.constant 0 : i32
      %dma_wait3A_126 = tpu.memref_slice %arg8[%dma_wait3A_123, %dma_wait3A_124, %dma_wait3A_125] : memref<2x4x8192xf32, #tpu.memory_space<vmem>> -> memref<1x4x8192xf32, #tpu.memory_space<vmem>>
      %dma_wait3A_127 = tpu.memref_squeeze %dma_wait3A_126 : memref<1x4x8192xf32, #tpu.memory_space<vmem>> -> memref<4x8192xf32, #tpu.memory_space<vmem>>
      %dma_wait3A_128 = arith.constant 0 : i32
      %dma_wait3A_129 = tpu.memref_slice %arg2[%add3A_111, %dma_wait3A_128] : memref<4096x8192xf32, #tpu.memory_space<hbm>> -> memref<4x8192xf32, #tpu.memory_space<hbm>>
      %dma_wait3A_130 = arith.constant 0 : i32
      %dma_wait3A_131 = arith.constant 0 : i32
      %dma_wait3A_132 = tpu.memref_slice %arg8[%dma_wait3A_123, %dma_wait3A_130, %dma_wait3A_131] : memref<2x4x8192xf32, #tpu.memory_space<vmem>> -> memref<1x4x8192xf32, #tpu.memory_space<vmem>>
      %dma_wait3A_133 = tpu.memref_squeeze %dma_wait3A_132 : memref<1x4x8192xf32, #tpu.memory_space<vmem>> -> memref<4x8192xf32, #tpu.memory_space<vmem>>
      %dma_wait3A_134 = arith.constant 0 : i32
      %dma_wait3A_135 = tpu.memref_slice %arg2[%add3A_111, %dma_wait3A_134] : memref<4096x8192xf32, #tpu.memory_space<hbm>> -> memref<4x8192xf32, #tpu.memory_space<hbm>>
      tpu.wait_dma2 semaphore(%arg17 : memref<!tpu.dma_semaphore, #tpu.memory_space<semaphore_mem>>) src(%dma_wait3A_135 : memref<4x8192xf32, #tpu.memory_space<hbm>>) dst(%dma_wait3A_133 : memref<4x8192xf32, #tpu.memory_space<vmem>>)
      %parallel_loop3A_136 = arith.constant 0 : i32
      %parallel_loop3A_137 = arith.constant 512 : i32
      %parallel_loop3A_138 = arith.constant 1 : i32
      scf.for %parallel_loop3A_241 = %parallel_loop3A_136 to %parallel_loop3A_137 step %parallel_loop3A_138  : i32 {
        %parallel_loop3A_242 = arith.constant 16 : i32
        %parallel_loop3A_243 = arith.muli %parallel_loop3A_241, %parallel_loop3A_242 : i32
        %parallel_loop3A_244 = arith.index_cast %parallel_loop3A_243 : i32 to index
        %parallel_loop3A_245 = tpu.vector_load %arg6[%parallel_loop3A_244] {strides = array<i32>} : memref<8192xi32, #tpu.memory_space<vmem>>, vector<16xi32>,
        %parallel_loop3A_246 = arith.constant 2147483647 : i32
        %parallel_loop3A_247 = vector.broadcast %parallel_loop3A_246 : i32 to vector<16xi32>
        %parallel_loop3A_248 = arith.andi %parallel_loop3A_245, %parallel_loop3A_247 : vector<16xi32>
        %parallel_loop3A_249 = arith.constant -2147483648 : i32
        %parallel_loop3A_250 = vector.broadcast %parallel_loop3A_249 : i32 to vector<16xi32>
        %parallel_loop3A_251 = arith.andi %parallel_loop3A_245, %parallel_loop3A_250 : vector<16xi32>
        %parallel_loop3A_252 = arith.constant 0 : i32
        %parallel_loop3A_253 = arith.constant 0 : i32
        %parallel_loop3A_254 = arith.index_cast %parallel_loop3A_252 : i32 to index
        %parallel_loop3A_255 = arith.index_cast %parallel_loop3A_253 : i32 to index
        %parallel_loop3A_256 = arith.index_cast %parallel_loop3A_243 : i32 to index
        %parallel_loop3A_257 = tpu.vector_load %arg8[%parallel_loop3A_254, %parallel_loop3A_255, %parallel_loop3A_256] {strides = array<i32>} : memref<2x4x8192xf32, #tpu.memory_space<vmem>>, vector<16xf32>,
        %parallel_loop3A_258 = vector.bitcast %parallel_loop3A_257 : vector<16xf32> to vector<16xi32>
        %parallel_loop3A_259 = arith.xori %parallel_loop3A_258, %parallel_loop3A_251 : vector<16xi32>
        %parallel_loop3A_260 = vector.bitcast %parallel_loop3A_259 : vector<16xi32> to vector<16xf32>
        tpu.vector_store_idx %arg9[%parallel_loop3A_248], %parallel_loop3A_260 {add = true} : memref<1024xf32, #tpu.memory_space<vmem>>[vector<16xi32>], vector<16xf32>,
        %parallel_loop3A_261 = arith.constant 0 : i32
        %parallel_loop3A_262 = arith.constant 1 : i32
        %parallel_loop3A_263 = arith.index_cast %parallel_loop3A_261 : i32 to index
        %parallel_loop3A_264 = arith.index_cast %parallel_loop3A_262 : i32 to index
        %parallel_loop3A_265 = arith.index_cast %parallel_loop3A_243 : i32 to index
        %parallel_loop3A_266 = tpu.vector_load %arg8[%parallel_loop3A_263, %parallel_loop3A_264, %parallel_loop3A_265] {strides = array<i32>} : memref<2x4x8192xf32, #tpu.memory_space<vmem>>, vector<16xf32>,
        %parallel_loop3A_267 = vector.bitcast %parallel_loop3A_266 : vector<16xf32> to vector<16xi32>
        %parallel_loop3A_268 = arith.xori %parallel_loop3A_267, %parallel_loop3A_251 : vector<16xi32>
        %parallel_loop3A_269 = vector.bitcast %parallel_loop3A_268 : vector<16xi32> to vector<16xf32>
        tpu.vector_store_idx %arg10[%parallel_loop3A_248], %parallel_loop3A_269 {add = true} : memref<1024xf32, #tpu.memory_space<vmem>>[vector<16xi32>], vector<16xf32>,
        %parallel_loop3A_270 = arith.constant 0 : i32
        %parallel_loop3A_271 = arith.constant 2 : i32
        %parallel_loop3A_272 = arith.index_cast %parallel_loop3A_270 : i32 to index
        %parallel_loop3A_273 = arith.index_cast %parallel_loop3A_271 : i32 to index
        %parallel_loop3A_274 = arith.index_cast %parallel_loop3A_243 : i32 to index
        %parallel_loop3A_275 = tpu.vector_load %arg8[%parallel_loop3A_272, %parallel_loop3A_273, %parallel_loop3A_274] {strides = array<i32>} : memref<2x4x8192xf32, #tpu.memory_space<vmem>>, vector<16xf32>,
        %parallel_loop3A_276 = vector.bitcast %parallel_loop3A_275 : vector<16xf32> to vector<16xi32>
        %parallel_loop3A_277 = arith.xori %parallel_loop3A_276, %parallel_loop3A_251 : vector<16xi32>
        %parallel_loop3A_278 = vector.bitcast %parallel_loop3A_277 : vector<16xi32> to vector<16xf32>
        tpu.vector_store_idx %arg11[%parallel_loop3A_248], %parallel_loop3A_278 {add = true} : memref<1024xf32, #tpu.memory_space<vmem>>[vector<16xi32>], vector<16xf32>,
        %parallel_loop3A_279 = arith.constant 0 : i32
        %parallel_loop3A_280 = arith.constant 3 : i32
        %parallel_loop3A_281 = arith.index_cast %parallel_loop3A_279 : i32 to index
        %parallel_loop3A_282 = arith.index_cast %parallel_loop3A_280 : i32 to index
        %parallel_loop3A_283 = arith.index_cast %parallel_loop3A_243 : i32 to index
        %parallel_loop3A_284 = tpu.vector_load %arg8[%parallel_loop3A_281, %parallel_loop3A_282, %parallel_loop3A_283] {strides = array<i32>} : memref<2x4x8192xf32, #tpu.memory_space<vmem>>, vector<16xf32>,
        %parallel_loop3A_285 = vector.bitcast %parallel_loop3A_284 : vector<16xf32> to vector<16xi32>
        %parallel_loop3A_286 = arith.xori %parallel_loop3A_285, %parallel_loop3A_251 : vector<16xi32>
        %parallel_loop3A_287 = vector.bitcast %parallel_loop3A_286 : vector<16xi32> to vector<16xf32>
        tpu.vector_store_idx %arg12[%parallel_loop3A_248], %parallel_loop3A_287 {add = true} : memref<1024xf32, #tpu.memory_space<vmem>>[vector<16xi32>], vector<16xf32>,
      } {sc.loop_unroll_factor = 8 : i64, sc.parallel_access}
      %add3A_139 = arith.constant 0 : i32
      %add3A_140 = arith.addi %add3A_111, %add3A_139 : i32
      %dma_start3A_141 = arith.constant 0 : i32
      %dma_start3A_142 = tpu.memref_slice %arg5[%add3A_140, %dma_start3A_141] : memref<4096x1024xf32, #tpu.memory_space<hbm>> -> memref<1x1024xf32, #tpu.memory_space<hbm>>
      %dma_start3A_143 = tpu.memref_squeeze %dma_start3A_142 : memref<1x1024xf32, #tpu.memory_space<hbm>> -> memref<1024xf32, #tpu.memory_space<hbm>>
      %dma_start3A_144 = arith.constant 0 : i32
      %dma_start3A_145 = tpu.memref_slice %arg5[%add3A_140, %dma_start3A_144] : memref<4096x1024xf32, #tpu.memory_space<hbm>> -> memref<1x1024xf32, #tpu.memory_space<hbm>>
      %dma_start3A_146 = tpu.memref_squeeze %dma_start3A_145 : memref<1x1024xf32, #tpu.memory_space<hbm>> -> memref<1024xf32, #tpu.memory_space<hbm>>
      tpu.enqueue_dma source(%arg9 : memref<1024xf32, #tpu.memory_space<vmem>>) target(%dma_start3A_146 : memref<1024xf32, #tpu.memory_space<hbm>>) target_semaphore(%arg18 : memref<!tpu.dma_semaphore, #tpu.memory_space<semaphore_mem>>)
      %add3A_147 = arith.constant 1 : i32
      %add3A_148 = arith.addi %add3A_111, %add3A_147 : i32
      %dma_start3A_149 = arith.constant 0 : i32
      %dma_start3A_150 = tpu.memref_slice %arg5[%add3A_148, %dma_start3A_149] : memref<4096x1024xf32, #tpu.memory_space<hbm>> -> memref<1x1024xf32, #tpu.memory_space<hbm>>
      %dma_start3A_151 = tpu.memref_squeeze %dma_start3A_150 : memref<1x1024xf32, #tpu.memory_space<hbm>> -> memref<1024xf32, #tpu.memory_space<hbm>>
      %dma_start3A_152 = arith.constant 0 : i32
      %dma_start3A_153 = tpu.memref_slice %arg5[%add3A_148, %dma_start3A_152] : memref<4096x1024xf32, #tpu.memory_space<hbm>> -> memref<1x1024xf32, #tpu.memory_space<hbm>>
      %dma_start3A_154 = tpu.memref_squeeze %dma_start3A_153 : memref<1x1024xf32, #tpu.memory_space<hbm>> -> memref<1024xf32, #tpu.memory_space<hbm>>
      tpu.enqueue_dma source(%arg10 : memref<1024xf32, #tpu.memory_space<vmem>>) target(%dma_start3A_154 : memref<1024xf32, #tpu.memory_space<hbm>>) target_semaphore(%arg18 : memref<!tpu.dma_semaphore, #tpu.memory_space<semaphore_mem>>)
      %add3A_155 = arith.constant 2 : i32
      %add3A_156 = arith.addi %add3A_111, %add3A_155 : i32
      %dma_start3A_157 = arith.constant 0 : i32
      %dma_start3A_158 = tpu.memref_slice %arg5[%add3A_156, %dma_start3A_157] : memref<4096x1024xf32, #tpu.memory_space<hbm>> -> memref<1x1024xf32, #tpu.memory_space<hbm>>
      %dma_start3A_159 = tpu.memref_squeeze %dma_start3A_158 : memref<1x1024xf32, #tpu.memory_space<hbm>> -> memref<1024xf32, #tpu.memory_space<hbm>>
      %dma_start3A_160 = arith.constant 0 : i32
      %dma_start3A_161 = tpu.memref_slice %arg5[%add3A_156, %dma_start3A_160] : memref<4096x1024xf32, #tpu.memory_space<hbm>> -> memref<1x1024xf32, #tpu.memory_space<hbm>>
      %dma_start3A_162 = tpu.memref_squeeze %dma_start3A_161 : memref<1x1024xf32, #tpu.memory_space<hbm>> -> memref<1024xf32, #tpu.memory_space<hbm>>
      tpu.enqueue_dma source(%arg11 : memref<1024xf32, #tpu.memory_space<vmem>>) target(%dma_start3A_162 : memref<1024xf32, #tpu.memory_space<hbm>>) target_semaphore(%arg18 : memref<!tpu.dma_semaphore, #tpu.memory_space<semaphore_mem>>)
      %add3A_163 = arith.constant 3 : i32
      %add3A_164 = arith.addi %add3A_111, %add3A_163 : i32
      %dma_start3A_165 = arith.constant 0 : i32
      %dma_start3A_166 = tpu.memref_slice %arg5[%add3A_164, %dma_start3A_165] : memref<4096x1024xf32, #tpu.memory_space<hbm>> -> memref<1x1024xf32, #tpu.memory_space<hbm>>
      %dma_start3A_167 = tpu.memref_squeeze %dma_start3A_166 : memref<1x1024xf32, #tpu.memory_space<hbm>> -> memref<1024xf32, #tpu.memory_space<hbm>>
      %dma_start3A_168 = arith.constant 0 : i32
      %dma_start3A_169 = tpu.memref_slice %arg5[%add3A_164, %dma_start3A_168] : memref<4096x1024xf32, #tpu.memory_space<hbm>> -> memref<1x1024xf32, #tpu.memory_space<hbm>>
      %dma_start3A_170 = tpu.memref_squeeze %dma_start3A_169 : memref<1x1024xf32, #tpu.memory_space<hbm>> -> memref<1024xf32, #tpu.memory_space<hbm>>
      tpu.enqueue_dma source(%arg12 : memref<1024xf32, #tpu.memory_space<vmem>>) target(%dma_start3A_170 : memref<1024xf32, #tpu.memory_space<hbm>>) target_semaphore(%arg18 : memref<!tpu.dma_semaphore, #tpu.memory_space<semaphore_mem>>)
      %mul3A_171 = arith.constant 2 : i32
      %mul3A_172 = arith.muli %scan3A_104, %mul3A_171 : i32
      %add3A_173 = arith.constant 1 : i32
      %add3A_174 = arith.addi %mul3A_172, %add3A_173 : i32
      %mul3A_175 = arith.constant 4 : i32
      %mul3A_176 = arith.muli %add3A_174, %mul3A_175 : i32
      %add3A_177 = arith.addi %mul3A_2, %mul3A_176 : i32
      %add3A_178 = arith.constant 1 : i32
      %add3A_179 = arith.addi %add3A_174, %add3A_178 : i32
      %lt3A_180 = arith.constant 32 : i32
      %lt3A_181 = arith.cmpi slt, %add3A_179, %lt3A_180 : i32
      %convert_element_type3A_182 = arith.extui %lt3A_181 : i1 to i32
      %cond3A_183 = arith.constant 0 : i32
      %cond3A_184 = arith.cmpi ne, %convert_element_type3A_182, %cond3A_183 : i32
      scf.if %cond3A_184 {
        %add3A_241 = arith.constant 4 : i32
        %add3A_242 = arith.addi %add3A_177, %add3A_241 : i32
        %dma_start3A_243 = arith.constant 0 : i32
        %dma_start3A_244 = arith.constant 0 : i32
        %dma_start3A_245 = arith.constant 0 : i32
        %dma_start3A_246 = tpu.memref_slice %arg8[%dma_start3A_243, %dma_start3A_244, %dma_start3A_245] : memref<2x4x8192xf32, #tpu.memory_space<vmem>> -> memref<1x4x8192xf32, #tpu.memory_space<vmem>>
        %dma_start3A_247 = tpu.memref_squeeze %dma_start3A_246 : memref<1x4x8192xf32, #tpu.memory_space<vmem>> -> memref<4x8192xf32, #tpu.memory_space<vmem>>
        %dma_start3A_248 = arith.constant 0 : i32
        %dma_start3A_249 = tpu.memref_slice %arg2[%add3A_242, %dma_start3A_248] : memref<4096x8192xf32, #tpu.memory_space<hbm>> -> memref<4x8192xf32, #tpu.memory_space<hbm>>
        %dma_start3A_250 = arith.constant 0 : i32
        %dma_start3A_251 = arith.constant 0 : i32
        %dma_start3A_252 = tpu.memref_slice %arg8[%dma_start3A_243, %dma_start3A_250, %dma_start3A_251] : memref<2x4x8192xf32, #tpu.memory_space<vmem>> -> memref<1x4x8192xf32, #tpu.memory_space<vmem>>
        %dma_start3A_253 = tpu.memref_squeeze %dma_start3A_252 : memref<1x4x8192xf32, #tpu.memory_space<vmem>> -> memref<4x8192xf32, #tpu.memory_space<vmem>>
        %dma_start3A_254 = arith.constant 0 : i32
        %dma_start3A_255 = tpu.memref_slice %arg2[%add3A_242, %dma_start3A_254] : memref<4096x8192xf32, #tpu.memory_space<hbm>> -> memref<4x8192xf32, #tpu.memory_space<hbm>>
        tpu.enqueue_dma source(%dma_start3A_255 : memref<4x8192xf32, #tpu.memory_space<hbm>>) target(%dma_start3A_253 : memref<4x8192xf32, #tpu.memory_space<vmem>>) target_semaphore(%arg17 : memref<!tpu.dma_semaphore, #tpu.memory_space<semaphore_mem>>)
      } else {
      }
      %ge3A_185 = arith.constant 2 : i32
      %ge3A_186 = arith.cmpi sge, %add3A_174, %ge3A_185 : i32
      %convert_element_type3A_187 = arith.extui %ge3A_186 : i1 to i32
      %cond3A_188 = arith.constant 0 : i32
      %cond3A_189 = arith.cmpi ne, %convert_element_type3A_187, %cond3A_188 : i32
      scf.if %cond3A_189 {
        %sub3A_241 = arith.constant 8 : i32
        %sub3A_242 = arith.subi %add3A_177, %sub3A_241 : i32
        %add3A_243 = arith.constant 0 : i32
        %add3A_244 = arith.addi %sub3A_242, %add3A_243 : i32
        %dma_wait3A_245 = arith.constant 0 : i32
        %dma_wait3A_246 = tpu.memref_slice %arg5[%add3A_244, %dma_wait3A_245] : memref<4096x1024xf32, #tpu.memory_space<hbm>> -> memref<1x1024xf32, #tpu.memory_space<hbm>>
        %dma_wait3A_247 = tpu.memref_squeeze %dma_wait3A_246 : memref<1x1024xf32, #tpu.memory_space<hbm>> -> memref<1024xf32, #tpu.memory_space<hbm>>
        %dma_wait3A_248 = arith.constant 0 : i32
        %dma_wait3A_249 = tpu.memref_slice %arg5[%add3A_244, %dma_wait3A_248] : memref<4096x1024xf32, #tpu.memory_space<hbm>> -> memref<1x1024xf32, #tpu.memory_space<hbm>>
        %dma_wait3A_250 = tpu.memref_squeeze %dma_wait3A_249 : memref<1x1024xf32, #tpu.memory_space<hbm>> -> memref<1024xf32, #tpu.memory_space<hbm>>
        tpu.wait_dma2 semaphore(%arg19 : memref<!tpu.dma_semaphore, #tpu.memory_space<semaphore_mem>>) src(%arg13 : memref<1024xf32, #tpu.memory_space<vmem>>) dst(%dma_wait3A_250 : memref<1024xf32, #tpu.memory_space<hbm>>)
        %sub3A_251 = arith.constant 8 : i32
        %sub3A_252 = arith.subi %add3A_177, %sub3A_251 : i32
        %add3A_253 = arith.constant 1 : i32
        %add3A_254 = arith.addi %sub3A_252, %add3A_253 : i32
        %dma_wait3A_255 = arith.constant 0 : i32
        %dma_wait3A_256 = tpu.memref_slice %arg5[%add3A_254, %dma_wait3A_255] : memref<4096x1024xf32, #tpu.memory_space<hbm>> -> memref<1x1024xf32, #tpu.memory_space<hbm>>
        %dma_wait3A_257 = tpu.memref_squeeze %dma_wait3A_256 : memref<1x1024xf32, #tpu.memory_space<hbm>> -> memref<1024xf32, #tpu.memory_space<hbm>>
        %dma_wait3A_258 = arith.constant 0 : i32
        %dma_wait3A_259 = tpu.memref_slice %arg5[%add3A_254, %dma_wait3A_258] : memref<4096x1024xf32, #tpu.memory_space<hbm>> -> memref<1x1024xf32, #tpu.memory_space<hbm>>
        %dma_wait3A_260 = tpu.memref_squeeze %dma_wait3A_259 : memref<1x1024xf32, #tpu.memory_space<hbm>> -> memref<1024xf32, #tpu.memory_space<hbm>>
        tpu.wait_dma2 semaphore(%arg19 : memref<!tpu.dma_semaphore, #tpu.memory_space<semaphore_mem>>) src(%arg14 : memref<1024xf32, #tpu.memory_space<vmem>>) dst(%dma_wait3A_260 : memref<1024xf32, #tpu.memory_space<hbm>>)
        %sub3A_261 = arith.constant 8 : i32
        %sub3A_262 = arith.subi %add3A_177, %sub3A_261 : i32
        %add3A_263 = arith.constant 2 : i32
        %add3A_264 = arith.addi %sub3A_262, %add3A_263 : i32
        %dma_wait3A_265 = arith.constant 0 : i32
        %dma_wait3A_266 = tpu.memref_slice %arg5[%add3A_264, %dma_wait3A_265] : memref<4096x1024xf32, #tpu.memory_space<hbm>> -> memref<1x1024xf32, #tpu.memory_space<hbm>>
        %dma_wait3A_267 = tpu.memref_squeeze %dma_wait3A_266 : memref<1x1024xf32, #tpu.memory_space<hbm>> -> memref<1024xf32, #tpu.memory_space<hbm>>
        %dma_wait3A_268 = arith.constant 0 : i32
        %dma_wait3A_269 = tpu.memref_slice %arg5[%add3A_264, %dma_wait3A_268] : memref<4096x1024xf32, #tpu.memory_space<hbm>> -> memref<1x1024xf32, #tpu.memory_space<hbm>>
        %dma_wait3A_270 = tpu.memref_squeeze %dma_wait3A_269 : memref<1x1024xf32, #tpu.memory_space<hbm>> -> memref<1024xf32, #tpu.memory_space<hbm>>
        tpu.wait_dma2 semaphore(%arg19 : memref<!tpu.dma_semaphore, #tpu.memory_space<semaphore_mem>>) src(%arg15 : memref<1024xf32, #tpu.memory_space<vmem>>) dst(%dma_wait3A_270 : memref<1024xf32, #tpu.memory_space<hbm>>)
        %sub3A_271 = arith.constant 8 : i32
        %sub3A_272 = arith.subi %add3A_177, %sub3A_271 : i32
        %add3A_273 = arith.constant 3 : i32
        %add3A_274 = arith.addi %sub3A_272, %add3A_273 : i32
        %dma_wait3A_275 = arith.constant 0 : i32
        %dma_wait3A_276 = tpu.memref_slice %arg5[%add3A_274, %dma_wait3A_275] : memref<4096x1024xf32, #tpu.memory_space<hbm>> -> memref<1x1024xf32, #tpu.memory_space<hbm>>
        %dma_wait3A_277 = tpu.memref_squeeze %dma_wait3A_276 : memref<1x1024xf32, #tpu.memory_space<hbm>> -> memref<1024xf32, #tpu.memory_space<hbm>>
        %dma_wait3A_278 = arith.constant 0 : i32
        %dma_wait3A_279 = tpu.memref_slice %arg5[%add3A_274, %dma_wait3A_278] : memref<4096x1024xf32, #tpu.memory_space<hbm>> -> memref<1x1024xf32, #tpu.memory_space<hbm>>
        %dma_wait3A_280 = tpu.memref_squeeze %dma_wait3A_279 : memref<1x1024xf32, #tpu.memory_space<hbm>> -> memref<1024xf32, #tpu.memory_space<hbm>>
        tpu.wait_dma2 semaphore(%arg19 : memref<!tpu.dma_semaphore, #tpu.memory_space<semaphore_mem>>) src(%arg16 : memref<1024xf32, #tpu.memory_space<vmem>>) dst(%dma_wait3A_280 : memref<1024xf32, #tpu.memory_space<hbm>>)
      } else {
      }
      %parallel_loop3A_190 = arith.constant 0 : i32
      %parallel_loop3A_191 = arith.constant 64 : i32
      %parallel_loop3A_192 = arith.constant 1 : i32
      scf.for %parallel_loop3A_241 = %parallel_loop3A_190 to %parallel_loop3A_191 step %parallel_loop3A_192  : i32 {
        %parallel_loop3A_242 = arith.constant 16 : i32
        %parallel_loop3A_243 = arith.muli %parallel_loop3A_241, %parallel_loop3A_242 : i32
        %parallel_loop3A_244 = arith.index_cast %parallel_loop3A_243 : i32 to index
        %parallel_loop3A_245 = tpu.vector_load %arg13[%parallel_loop3A_244] {strides = array<i32>} : memref<1024xf32, #tpu.memory_space<vmem>>, vector<16xf32>,
        tpu.vector_store %arg13[%parallel_loop3A_244], %broadcast_in_dim3A_5 {strides = array<i32>} : memref<1024xf32, #tpu.memory_space<vmem>>, vector<16xf32>,
        %parallel_loop3A_246 = arith.index_cast %parallel_loop3A_243 : i32 to index
        %parallel_loop3A_247 = tpu.vector_load %arg14[%parallel_loop3A_246] {strides = array<i32>} : memref<1024xf32, #tpu.memory_space<vmem>>, vector<16xf32>,
        tpu.vector_store %arg14[%parallel_loop3A_246], %broadcast_in_dim3A_5 {strides = array<i32>} : memref<1024xf32, #tpu.memory_space<vmem>>, vector<16xf32>,
        %parallel_loop3A_248 = arith.index_cast %parallel_loop3A_243 : i32 to index
        %parallel_loop3A_249 = tpu.vector_load %arg15[%parallel_loop3A_248] {strides = array<i32>} : memref<1024xf32, #tpu.memory_space<vmem>>, vector<16xf32>,
        tpu.vector_store %arg15[%parallel_loop3A_248], %broadcast_in_dim3A_5 {strides = array<i32>} : memref<1024xf32, #tpu.memory_space<vmem>>, vector<16xf32>,
        %parallel_loop3A_250 = arith.index_cast %parallel_loop3A_243 : i32 to index
        %parallel_loop3A_251 = tpu.vector_load %arg16[%parallel_loop3A_250] {strides = array<i32>} : memref<1024xf32, #tpu.memory_space<vmem>>, vector<16xf32>,
        tpu.vector_store %arg16[%parallel_loop3A_250], %broadcast_in_dim3A_5 {strides = array<i32>} : memref<1024xf32, #tpu.memory_space<vmem>>, vector<16xf32>,
      } {sc.loop_unroll_factor = 4 : i64, sc.parallel_access}
      %dma_wait3A_193 = arith.constant 1 : i32
      %dma_wait3A_194 = arith.constant 0 : i32
      %dma_wait3A_195 = arith.constant 0 : i32
      %dma_wait3A_196 = tpu.memref_slice %arg8[%dma_wait3A_193, %dma_wait3A_194, %dma_wait3A_195] : memref<2x4x8192xf32, #tpu.memory_space<vmem>> -> memref<1x4x8192xf32, #tpu.memory_space<vmem>>
      %dma_wait3A_197 = tpu.memref_squeeze %dma_wait3A_196 : memref<1x4x8192xf32, #tpu.memory_space<vmem>> -> memref<4x8192xf32, #tpu.memory_space<vmem>>
      %dma_wait3A_198 = arith.constant 0 : i32
      %dma_wait3A_199 = tpu.memref_slice %arg2[%add3A_177, %dma_wait3A_198] : memref<4096x8192xf32, #tpu.memory_space<hbm>> -> memref<4x8192xf32, #tpu.memory_space<hbm>>
      %dma_wait3A_200 = arith.constant 0 : i32
      %dma_wait3A_201 = arith.constant 0 : i32
      %dma_wait3A_202 = tpu.memref_slice %arg8[%dma_wait3A_193, %dma_wait3A_200, %dma_wait3A_201] : memref<2x4x8192xf32, #tpu.memory_space<vmem>> -> memref<1x4x8192xf32, #tpu.memory_space<vmem>>
      %dma_wait3A_203 = tpu.memref_squeeze %dma_wait3A_202 : memref<1x4x8192xf32, #tpu.memory_space<vmem>> -> memref<4x8192xf32, #tpu.memory_space<vmem>>
      %dma_wait3A_204 = arith.constant 0 : i32
      %dma_wait3A_205 = tpu.memref_slice %arg2[%add3A_177, %dma_wait3A_204] : memref<4096x8192xf32, #tpu.memory_space<hbm>> -> memref<4x8192xf32, #tpu.memory_space<hbm>>
      tpu.wait_dma2 semaphore(%arg17 : memref<!tpu.dma_semaphore, #tpu.memory_space<semaphore_mem>>) src(%dma_wait3A_205 : memref<4x8192xf32, #tpu.memory_space<hbm>>) dst(%dma_wait3A_203 : memref<4x8192xf32, #tpu.memory_space<vmem>>)
      %parallel_loop3A_206 = arith.constant 0 : i32
      %parallel_loop3A_207 = arith.constant 512 : i32
      %parallel_loop3A_208 = arith.constant 1 : i32
      scf.for %parallel_loop3A_241 = %parallel_loop3A_206 to %parallel_loop3A_207 step %parallel_loop3A_208  : i32 {
        %parallel_loop3A_242 = arith.constant 16 : i32
        %parallel_loop3A_243 = arith.muli %parallel_loop3A_241, %parallel_loop3A_242 : i32
        %parallel_loop3A_244 = arith.index_cast %parallel_loop3A_243 : i32 to index
        %parallel_loop3A_245 = tpu.vector_load %arg6[%parallel_loop3A_244] {strides = array<i32>} : memref<8192xi32, #tpu.memory_space<vmem>>, vector<16xi32>,
        %parallel_loop3A_246 = arith.constant 2147483647 : i32
        %parallel_loop3A_247 = vector.broadcast %parallel_loop3A_246 : i32 to vector<16xi32>
        %parallel_loop3A_248 = arith.andi %parallel_loop3A_245, %parallel_loop3A_247 : vector<16xi32>
        %parallel_loop3A_249 = arith.constant -2147483648 : i32
        %parallel_loop3A_250 = vector.broadcast %parallel_loop3A_249 : i32 to vector<16xi32>
        %parallel_loop3A_251 = arith.andi %parallel_loop3A_245, %parallel_loop3A_250 : vector<16xi32>
        %parallel_loop3A_252 = arith.constant 1 : i32
        %parallel_loop3A_253 = arith.constant 0 : i32
        %parallel_loop3A_254 = arith.index_cast %parallel_loop3A_252 : i32 to index
        %parallel_loop3A_255 = arith.index_cast %parallel_loop3A_253 : i32 to index
        %parallel_loop3A_256 = arith.index_cast %parallel_loop3A_243 : i32 to index
        %parallel_loop3A_257 = tpu.vector_load %arg8[%parallel_loop3A_254, %parallel_loop3A_255, %parallel_loop3A_256] {strides = array<i32>} : memref<2x4x8192xf32, #tpu.memory_space<vmem>>, vector<16xf32>,
        %parallel_loop3A_258 = vector.bitcast %parallel_loop3A_257 : vector<16xf32> to vector<16xi32>
        %parallel_loop3A_259 = arith.xori %parallel_loop3A_258, %parallel_loop3A_251 : vector<16xi32>
        %parallel_loop3A_260 = vector.bitcast %parallel_loop3A_259 : vector<16xi32> to vector<16xf32>
        tpu.vector_store_idx %arg13[%parallel_loop3A_248], %parallel_loop3A_260 {add = true} : memref<1024xf32, #tpu.memory_space<vmem>>[vector<16xi32>], vector<16xf32>,
        %parallel_loop3A_261 = arith.constant 1 : i32
        %parallel_loop3A_262 = arith.constant 1 : i32
        %parallel_loop3A_263 = arith.index_cast %parallel_loop3A_261 : i32 to index
        %parallel_loop3A_264 = arith.index_cast %parallel_loop3A_262 : i32 to index
        %parallel_loop3A_265 = arith.index_cast %parallel_loop3A_243 : i32 to index
        %parallel_loop3A_266 = tpu.vector_load %arg8[%parallel_loop3A_263, %parallel_loop3A_264, %parallel_loop3A_265] {strides = array<i32>} : memref<2x4x8192xf32, #tpu.memory_space<vmem>>, vector<16xf32>,
        %parallel_loop3A_267 = vector.bitcast %parallel_loop3A_266 : vector<16xf32> to vector<16xi32>
        %parallel_loop3A_268 = arith.xori %parallel_loop3A_267, %parallel_loop3A_251 : vector<16xi32>
        %parallel_loop3A_269 = vector.bitcast %parallel_loop3A_268 : vector<16xi32> to vector<16xf32>
        tpu.vector_store_idx %arg14[%parallel_loop3A_248], %parallel_loop3A_269 {add = true} : memref<1024xf32, #tpu.memory_space<vmem>>[vector<16xi32>], vector<16xf32>,
        %parallel_loop3A_270 = arith.constant 1 : i32
        %parallel_loop3A_271 = arith.constant 2 : i32
        %parallel_loop3A_272 = arith.index_cast %parallel_loop3A_270 : i32 to index
        %parallel_loop3A_273 = arith.index_cast %parallel_loop3A_271 : i32 to index
        %parallel_loop3A_274 = arith.index_cast %parallel_loop3A_243 : i32 to index
        %parallel_loop3A_275 = tpu.vector_load %arg8[%parallel_loop3A_272, %parallel_loop3A_273, %parallel_loop3A_274] {strides = array<i32>} : memref<2x4x8192xf32, #tpu.memory_space<vmem>>, vector<16xf32>,
        %parallel_loop3A_276 = vector.bitcast %parallel_loop3A_275 : vector<16xf32> to vector<16xi32>
        %parallel_loop3A_277 = arith.xori %parallel_loop3A_276, %parallel_loop3A_251 : vector<16xi32>
        %parallel_loop3A_278 = vector.bitcast %parallel_loop3A_277 : vector<16xi32> to vector<16xf32>
        tpu.vector_store_idx %arg15[%parallel_loop3A_248], %parallel_loop3A_278 {add = true} : memref<1024xf32, #tpu.memory_space<vmem>>[vector<16xi32>], vector<16xf32>,
        %parallel_loop3A_279 = arith.constant 1 : i32
        %parallel_loop3A_280 = arith.constant 3 : i32
        %parallel_loop3A_281 = arith.index_cast %parallel_loop3A_279 : i32 to index
        %parallel_loop3A_282 = arith.index_cast %parallel_loop3A_280 : i32 to index
        %parallel_loop3A_283 = arith.index_cast %parallel_loop3A_243 : i32 to index
        %parallel_loop3A_284 = tpu.vector_load %arg8[%parallel_loop3A_281, %parallel_loop3A_282, %parallel_loop3A_283] {strides = array<i32>} : memref<2x4x8192xf32, #tpu.memory_space<vmem>>, vector<16xf32>,
        %parallel_loop3A_285 = vector.bitcast %parallel_loop3A_284 : vector<16xf32> to vector<16xi32>
        %parallel_loop3A_286 = arith.xori %parallel_loop3A_285, %parallel_loop3A_251 : vector<16xi32>
        %parallel_loop3A_287 = vector.bitcast %parallel_loop3A_286 : vector<16xi32> to vector<16xf32>
        tpu.vector_store_idx %arg16[%parallel_loop3A_248], %parallel_loop3A_287 {add = true} : memref<1024xf32, #tpu.memory_space<vmem>>[vector<16xi32>], vector<16xf32>,
      } {sc.loop_unroll_factor = 8 : i64, sc.parallel_access}
      %add3A_209 = arith.constant 0 : i32
      %add3A_210 = arith.addi %add3A_177, %add3A_209 : i32
      %dma_start3A_211 = arith.constant 0 : i32
      %dma_start3A_212 = tpu.memref_slice %arg5[%add3A_210, %dma_start3A_211] : memref<4096x1024xf32, #tpu.memory_space<hbm>> -> memref<1x1024xf32, #tpu.memory_space<hbm>>
      %dma_start3A_213 = tpu.memref_squeeze %dma_start3A_212 : memref<1x1024xf32, #tpu.memory_space<hbm>> -> memref<1024xf32, #tpu.memory_space<hbm>>
      %dma_start3A_214 = arith.constant 0 : i32
      %dma_start3A_215 = tpu.memref_slice %arg5[%add3A_210, %dma_start3A_214] : memref<4096x1024xf32, #tpu.memory_space<hbm>> -> memref<1x1024xf32, #tpu.memory_space<hbm>>
      %dma_start3A_216 = tpu.memref_squeeze %dma_start3A_215 : memref<1x1024xf32, #tpu.memory_space<hbm>> -> memref<1024xf32, #tpu.memory_space<hbm>>
      tpu.enqueue_dma source(%arg13 : memref<1024xf32, #tpu.memory_space<vmem>>) target(%dma_start3A_216 : memref<1024xf32, #tpu.memory_space<hbm>>) target_semaphore(%arg19 : memref<!tpu.dma_semaphore, #tpu.memory_space<semaphore_mem>>)
      %add3A_217 = arith.constant 1 : i32
      %add3A_218 = arith.addi %add3A_177, %add3A_217 : i32
      %dma_start3A_219 = arith.constant 0 : i32
      %dma_start3A_220 = tpu.memref_slice %arg5[%add3A_218, %dma_start3A_219] : memref<4096x1024xf32, #tpu.memory_space<hbm>> -> memref<1x1024xf32, #tpu.memory_space<hbm>>
      %dma_start3A_221 = tpu.memref_squeeze %dma_start3A_220 : memref<1x1024xf32, #tpu.memory_space<hbm>> -> memref<1024xf32, #tpu.memory_space<hbm>>
      %dma_start3A_222 = arith.constant 0 : i32
      %dma_start3A_223 = tpu.memref_slice %arg5[%add3A_218, %dma_start3A_222] : memref<4096x1024xf32, #tpu.memory_space<hbm>> -> memref<1x1024xf32, #tpu.memory_space<hbm>>
      %dma_start3A_224 = tpu.memref_squeeze %dma_start3A_223 : memref<1x1024xf32, #tpu.memory_space<hbm>> -> memref<1024xf32, #tpu.memory_space<hbm>>
      tpu.enqueue_dma source(%arg14 : memref<1024xf32, #tpu.memory_space<vmem>>) target(%dma_start3A_224 : memref<1024xf32, #tpu.memory_space<hbm>>) target_semaphore(%arg19 : memref<!tpu.dma_semaphore, #tpu.memory_space<semaphore_mem>>)
      %add3A_225 = arith.constant 2 : i32
      %add3A_226 = arith.addi %add3A_177, %add3A_225 : i32
      %dma_start3A_227 = arith.constant 0 : i32
      %dma_start3A_228 = tpu.memref_slice %arg5[%add3A_226, %dma_start3A_227] : memref<4096x1024xf32, #tpu.memory_space<hbm>> -> memref<1x1024xf32, #tpu.memory_space<hbm>>
      %dma_start3A_229 = tpu.memref_squeeze %dma_start3A_228 : memref<1x1024xf32, #tpu.memory_space<hbm>> -> memref<1024xf32, #tpu.memory_space<hbm>>
      %dma_start3A_230 = arith.constant 0 : i32
      %dma_start3A_231 = tpu.memref_slice %arg5[%add3A_226, %dma_start3A_230] : memref<4096x1024xf32, #tpu.memory_space<hbm>> -> memref<1x1024xf32, #tpu.memory_space<hbm>>
      %dma_start3A_232 = tpu.memref_squeeze %dma_start3A_231 : memref<1x1024xf32, #tpu.memory_space<hbm>> -> memref<1024xf32, #tpu.memory_space<hbm>>
      tpu.enqueue_dma source(%arg15 : memref<1024xf32, #tpu.memory_space<vmem>>) target(%dma_start3A_232 : memref<1024xf32, #tpu.memory_space<hbm>>) target_semaphore(%arg19 : memref<!tpu.dma_semaphore, #tpu.memory_space<semaphore_mem>>)
      %add3A_233 = arith.constant 3 : i32
      %add3A_234 = arith.addi %add3A_177, %add3A_233 : i32
      %dma_start3A_235 = arith.constant 0 : i32
      %dma_start3A_236 = tpu.memref_slice %arg5[%add3A_234, %dma_start3A_235] : memref<4096x1024xf32, #tpu.memory_space<hbm>> -> memref<1x1024xf32, #tpu.memory_space<hbm>>
      %dma_start3A_237 = tpu.memref_squeeze %dma_start3A_236 : memref<1x1024xf32, #tpu.memory_space<hbm>> -> memref<1024xf32, #tpu.memory_space<hbm>>
      %dma_start3A_238 = arith.constant 0 : i32
      %dma_start3A_239 = tpu.memref_slice %arg5[%add3A_234, %dma_start3A_238] : memref<4096x1024xf32, #tpu.memory_space<hbm>> -> memref<1x1024xf32, #tpu.memory_space<hbm>>
      %dma_start3A_240 = tpu.memref_squeeze %dma_start3A_239 : memref<1x1024xf32, #tpu.memory_space<hbm>> -> memref<1024xf32, #tpu.memory_space<hbm>>
      tpu.enqueue_dma source(%arg16 : memref<1024xf32, #tpu.memory_space<vmem>>) target(%dma_start3A_240 : memref<1024xf32, #tpu.memory_space<hbm>>) target_semaphore(%arg19 : memref<!tpu.dma_semaphore, #tpu.memory_space<semaphore_mem>>)
    }
    %scan3A_21 = arith.constant 16 : i32
    %add3A_22 = arith.constant 128 : i32
    %add3A_23 = arith.addi %mul3A_2, %add3A_22 : i32
    %sub3A = arith.constant 8 : i32
    %sub3A_24 = arith.subi %add3A_23, %sub3A : i32
    %add3A_25 = arith.constant 0 : i32
    %add3A_26 = arith.addi %sub3A_24, %add3A_25 : i32
    %add3A_27 = arith.constant 0 : i32
    %add3A_28 = arith.addi %add3A_26, %add3A_27 : i32
    %dma_wait3A = arith.constant 0 : i32
    %dma_wait3A_29 = tpu.memref_slice %arg5[%add3A_28, %dma_wait3A] : memref<4096x1024xf32, #tpu.memory_space<hbm>> -> memref<1x1024xf32, #tpu.memory_space<hbm>>
    %dma_wait3A_30 = tpu.memref_squeeze %dma_wait3A_29 : memref<1x1024xf32, #tpu.memory_space<hbm>> -> memref<1024xf32, #tpu.memory_space<hbm>>
    %dma_wait3A_31 = arith.constant 0 : i32
    %dma_wait3A_32 = tpu.memref_slice %arg5[%add3A_28, %dma_wait3A_31] : memref<4096x1024xf32, #tpu.memory_space<hbm>> -> memref<1x1024xf32, #tpu.memory_space<hbm>>
    %dma_wait3A_33 = tpu.memref_squeeze %dma_wait3A_32 : memref<1x1024xf32, #tpu.memory_space<hbm>> -> memref<1024xf32, #tpu.memory_space<hbm>>
    tpu.wait_dma2 semaphore(%arg18 : memref<!tpu.dma_semaphore, #tpu.memory_space<semaphore_mem>>) src(%arg9 : memref<1024xf32, #tpu.memory_space<vmem>>) dst(%dma_wait3A_33 : memref<1024xf32, #tpu.memory_space<hbm>>)
    %add3A_34 = arith.constant 0 : i32
    %add3A_35 = arith.addi %sub3A_24, %add3A_34 : i32
    %add3A_36 = arith.constant 1 : i32
    %add3A_37 = arith.addi %add3A_35, %add3A_36 : i32
    %dma_wait3A_38 = arith.constant 0 : i32
    %dma_wait3A_39 = tpu.memref_slice %arg5[%add3A_37, %dma_wait3A_38] : memref<4096x1024xf32, #tpu.memory_space<hbm>> -> memref<1x1024xf32, #tpu.memory_space<hbm>>
    %dma_wait3A_40 = tpu.memref_squeeze %dma_wait3A_39 : memref<1x1024xf32, #tpu.memory_space<hbm>> -> memref<1024xf32, #tpu.memory_space<hbm>>
    %dma_wait3A_41 = arith.constant 0 : i32
    %dma_wait3A_42 = tpu.memref_slice %arg5[%add3A_37, %dma_wait3A_41] : memref<4096x1024xf32, #tpu.memory_space<hbm>> -> memref<1x1024xf32, #tpu.memory_space<hbm>>
    %dma_wait3A_43 = tpu.memref_squeeze %dma_wait3A_42 : memref<1x1024xf32, #tpu.memory_space<hbm>> -> memref<1024xf32, #tpu.memory_space<hbm>>
    tpu.wait_dma2 semaphore(%arg18 : memref<!tpu.dma_semaphore, #tpu.memory_space<semaphore_mem>>) src(%arg10 : memref<1024xf32, #tpu.memory_space<vmem>>) dst(%dma_wait3A_43 : memref<1024xf32, #tpu.memory_space<hbm>>)
    %add3A_44 = arith.constant 0 : i32
    %add3A_45 = arith.addi %sub3A_24, %add3A_44 : i32
    %add3A_46 = arith.constant 2 : i32
    %add3A_47 = arith.addi %add3A_45, %add3A_46 : i32
    %dma_wait3A_48 = arith.constant 0 : i32
    %dma_wait3A_49 = tpu.memref_slice %arg5[%add3A_47, %dma_wait3A_48] : memref<4096x1024xf32, #tpu.memory_space<hbm>> -> memref<1x1024xf32, #tpu.memory_space<hbm>>
    %dma_wait3A_50 = tpu.memref_squeeze %dma_wait3A_49 : memref<1x1024xf32, #tpu.memory_space<hbm>> -> memref<1024xf32, #tpu.memory_space<hbm>>
    %dma_wait3A_51 = arith.constant 0 : i32
    %dma_wait3A_52 = tpu.memref_slice %arg5[%add3A_47, %dma_wait3A_51] : memref<4096x1024xf32, #tpu.memory_space<hbm>> -> memref<1x1024xf32, #tpu.memory_space<hbm>>
    %dma_wait3A_53 = tpu.memref_squeeze %dma_wait3A_52 : memref<1x1024xf32, #tpu.memory_space<hbm>> -> memref<1024xf32, #tpu.memory_space<hbm>>
    tpu.wait_dma2 semaphore(%arg18 : memref<!tpu.dma_semaphore, #tpu.memory_space<semaphore_mem>>) src(%arg11 : memref<1024xf32, #tpu.memory_space<vmem>>) dst(%dma_wait3A_53 : memref<1024xf32, #tpu.memory_space<hbm>>)
    %add3A_54 = arith.constant 0 : i32
    %add3A_55 = arith.addi %sub3A_24, %add3A_54 : i32
    %add3A_56 = arith.constant 3 : i32
    %add3A_57 = arith.addi %add3A_55, %add3A_56 : i32
    %dma_wait3A_58 = arith.constant 0 : i32
    %dma_wait3A_59 = tpu.memref_slice %arg5[%add3A_57, %dma_wait3A_58] : memref<4096x1024xf32, #tpu.memory_space<hbm>> -> memref<1x1024xf32, #tpu.memory_space<hbm>>
    %dma_wait3A_60 = tpu.memref_squeeze %dma_wait3A_59 : memref<1x1024xf32, #tpu.memory_space<hbm>> -> memref<1024xf32, #tpu.memory_space<hbm>>
    %dma_wait3A_61 = arith.constant 0 : i32
    %dma_wait3A_62 = tpu.memref_slice %arg5[%add3A_57, %dma_wait3A_61] : memref<4096x1024xf32, #tpu.memory_space<hbm>> -> memref<1x1024xf32, #tpu.memory_space<hbm>>
    %dma_wait3A_63 = tpu.memref_squeeze %dma_wait3A_62 : memref<1x1024xf32, #tpu.memory_space<hbm>> -> memref<1024xf32, #tpu.memory_space<hbm>>
    tpu.wait_dma2 semaphore(%arg18 : memref<!tpu.dma_semaphore, #tpu.memory_space<semaphore_mem>>) src(%arg12 : memref<1024xf32, #tpu.memory_space<vmem>>) dst(%dma_wait3A_63 : memref<1024xf32, #tpu.memory_space<hbm>>)
    %add3A_64 = arith.constant 4 : i32
    %add3A_65 = arith.addi %sub3A_24, %add3A_64 : i32
    %add3A_66 = arith.constant 0 : i32
    %add3A_67 = arith.addi %add3A_65, %add3A_66 : i32
    %dma_wait3A_68 = arith.constant 0 : i32
    %dma_wait3A_69 = tpu.memref_slice %arg5[%add3A_67, %dma_wait3A_68] : memref<4096x1024xf32, #tpu.memory_space<hbm>> -> memref<1x1024xf32, #tpu.memory_space<hbm>>
    %dma_wait3A_70 = tpu.memref_squeeze %dma_wait3A_69 : memref<1x1024xf32, #tpu.memory_space<hbm>> -> memref<1024xf32, #tpu.memory_space<hbm>>
    %dma_wait3A_71 = arith.constant 0 : i32
    %dma_wait3A_72 = tpu.memref_slice %arg5[%add3A_67, %dma_wait3A_71] : memref<4096x1024xf32, #tpu.memory_space<hbm>> -> memref<1x1024xf32, #tpu.memory_space<hbm>>
    %dma_wait3A_73 = tpu.memref_squeeze %dma_wait3A_72 : memref<1x1024xf32, #tpu.memory_space<hbm>> -> memref<1024xf32, #tpu.memory_space<hbm>>
    tpu.wait_dma2 semaphore(%arg19 : memref<!tpu.dma_semaphore, #tpu.memory_space<semaphore_mem>>) src(%arg13 : memref<1024xf32, #tpu.memory_space<vmem>>) dst(%dma_wait3A_73 : memref<1024xf32, #tpu.memory_space<hbm>>)
    %add3A_74 = arith.constant 4 : i32
    %add3A_75 = arith.addi %sub3A_24, %add3A_74 : i32
    %add3A_76 = arith.constant 1 : i32
    %add3A_77 = arith.addi %add3A_75, %add3A_76 : i32
    %dma_wait3A_78 = arith.constant 0 : i32
    %dma_wait3A_79 = tpu.memref_slice %arg5[%add3A_77, %dma_wait3A_78] : memref<4096x1024xf32, #tpu.memory_space<hbm>> -> memref<1x1024xf32, #tpu.memory_space<hbm>>
    %dma_wait3A_80 = tpu.memref_squeeze %dma_wait3A_79 : memref<1x1024xf32, #tpu.memory_space<hbm>> -> memref<1024xf32, #tpu.memory_space<hbm>>
    %dma_wait3A_81 = arith.constant 0 : i32
    %dma_wait3A_82 = tpu.memref_slice %arg5[%add3A_77, %dma_wait3A_81] : memref<4096x1024xf32, #tpu.memory_space<hbm>> -> memref<1x1024xf32, #tpu.memory_space<hbm>>
    %dma_wait3A_83 = tpu.memref_squeeze %dma_wait3A_82 : memref<1x1024xf32, #tpu.memory_space<hbm>> -> memref<1024xf32, #tpu.memory_space<hbm>>
    tpu.wait_dma2 semaphore(%arg19 : memref<!tpu.dma_semaphore, #tpu.memory_space<semaphore_mem>>) src(%arg14 : memref<1024xf32, #tpu.memory_space<vmem>>) dst(%dma_wait3A_83 : memref<1024xf32, #tpu.memory_space<hbm>>)
    %add3A_84 = arith.constant 4 : i32
    %add3A_85 = arith.addi %sub3A_24, %add3A_84 : i32
    %add3A_86 = arith.constant 2 : i32
    %add3A_87 = arith.addi %add3A_85, %add3A_86 : i32
    %dma_wait3A_88 = arith.constant 0 : i32
    %dma_wait3A_89 = tpu.memref_slice %arg5[%add3A_87, %dma_wait3A_88] : memref<4096x1024xf32, #tpu.memory_space<hbm>> -> memref<1x1024xf32, #tpu.memory_space<hbm>>
    %dma_wait3A_90 = tpu.memref_squeeze %dma_wait3A_89 : memref<1x1024xf32, #tpu.memory_space<hbm>> -> memref<1024xf32, #tpu.memory_space<hbm>>
    %dma_wait3A_91 = arith.constant 0 : i32
    %dma_wait3A_92 = tpu.memref_slice %arg5[%add3A_87, %dma_wait3A_91] : memref<4096x1024xf32, #tpu.memory_space<hbm>> -> memref<1x1024xf32, #tpu.memory_space<hbm>>
    %dma_wait3A_93 = tpu.memref_squeeze %dma_wait3A_92 : memref<1x1024xf32, #tpu.memory_space<hbm>> -> memref<1024xf32, #tpu.memory_space<hbm>>
    tpu.wait_dma2 semaphore(%arg19 : memref<!tpu.dma_semaphore, #tpu.memory_space<semaphore_mem>>) src(%arg15 : memref<1024xf32, #tpu.memory_space<vmem>>) dst(%dma_wait3A_93 : memref<1024xf32, #tpu.memory_space<hbm>>)
    %add3A_94 = arith.constant 4 : i32
    %add3A_95 = arith.addi %sub3A_24, %add3A_94 : i32
    %add3A_96 = arith.constant 3 : i32
    %add3A_97 = arith.addi %add3A_95, %add3A_96 : i32
    %dma_wait3A_98 = arith.constant 0 : i32
    %dma_wait3A_99 = tpu.memref_slice %arg5[%add3A_97, %dma_wait3A_98] : memref<4096x1024xf32, #tpu.memory_space<hbm>> -> memref<1x1024xf32, #tpu.memory_space<hbm>>
    %dma_wait3A_100 = tpu.memref_squeeze %dma_wait3A_99 : memref<1x1024xf32, #tpu.memory_space<hbm>> -> memref<1024xf32, #tpu.memory_space<hbm>>
    %dma_wait3A_101 = arith.constant 0 : i32
    %dma_wait3A_102 = tpu.memref_slice %arg5[%add3A_97, %dma_wait3A_101] : memref<4096x1024xf32, #tpu.memory_space<hbm>> -> memref<1x1024xf32, #tpu.memory_space<hbm>>
    %dma_wait3A_103 = tpu.memref_squeeze %dma_wait3A_102 : memref<1x1024xf32, #tpu.memory_space<hbm>> -> memref<1024xf32, #tpu.memory_space<hbm>>
    tpu.wait_dma2 semaphore(%arg19 : memref<!tpu.dma_semaphore, #tpu.memory_space<semaphore_mem>>) src(%arg16 : memref<1024xf32, #tpu.memory_space<vmem>>) dst(%dma_wait3A_103 : memref<1024xf32, #tpu.memory_space<hbm>>)
    return
  }
}

</mosaic_0001>

<sc_bundles>
// kernel: _count_sketch.3.cloned.1.call-start
scs
__scs_entry_jumppad:
0x0: {  	(pc) =	sbr.rel $0x88, $3  }
0x1: {  	(tag) =	ssettag $0x0;
	lr =	simm.s32 $0x1  }
0x2: {  	[smem:$0x3F9E] =	sst lr;
	_ =	strace $0xD0000000  }
0x3: {  	_ = 	snop  }
0x4: {  	_ = 	snop  }
0x5: {  	_ = 	snop  }
0x6: {  	_ = 	snop  }
0x7: {  	_ = 	snop  }
__scs_overlays_trampoline_lowered:
0x8: {  	[smem:$0x3FAD] =	sst s0  }
0x9: {  	[smem:$0x3FAE] =	sst s1  }
0xa: {  	[smem:$0x3FAF] =	sst s2  }
0xb: {  	[smem:$0x3FB0] =	sst s3  }
0xc: {  	[smem:$0x3FB1] =	sst s4  }
0xd: {  	[smem:$0x3FB2] =	sst s5  }
0xe: {  	[smem:$0x3FB3] =	sst s6  }
0xf: {  	[smem:$0x3FB4] =	sst s7  }
0x10: {  	[smem:$0x3FB5] =	sst s8  }
0x11: {  	[smem:$0x3FB6] =	sst s9;
	s0 =	simm.s32 @!p0 $0x0  }
0x12: {  	s1 =	sld [smem:$0x3F9C];
	s0 =	simm.s32 @p0 $0x1  }
0x13: {  	[smem:$0x3FB7] =	sst s0;
	s0 =	simm.s32 @!p1 $0x0  }
0x14: {  	s2 =	sld [smem:$0x3F9B];
	s0 =	simm.s32 @p1 $0x1  }
0x15: {  	[smem:$0x3FB8] =	sst s0;
	s0 =	simm.s32 @!p2 $0x0  }
0x16: {  	s3 =	sld [smem:$0x3FDB];
	s0 =	simm.s32 @p2 $0x1  }
0x17: {  	s4 =	simm.s32 $0x1BF5;
	[smem:$0x3FBA] =	sst s0  }
0x18: {  	s0 =	sld [smem:$0x3F9D];
	_ =	swait.ge [sflag:s4], $0x0  }
0x19: {  	s7 =	sld [smem:$0x3F9E]  }
0x1a: {  	s8 =	sadd.s32 $0xFFFFE003, lr  }
0x1b: {  	s9 =	sadd.s32 $0xFFFFFEF7, lr;
	s5 =	simm.s32 $0xFFFFFFFF;
	p2 =	slt.u32 s8, $0xFFFFF086  }
0x1c: {  	p1 =	slt.u32 s9, $0xF7A;
	s5 =	simm.s32 @!p2 $0x0  }
0x1d: {  	s5 =	simm.s32 @p1 $0x1;
	p0 =	seq.s32 s7, s2  }
0x1e: {  	s7 =	smul.u32 @!p0 $0xF7A, s2;
	p2 =	seq.s32 @!p0 s5, $0x0  }
0x1f: {  	s9 =	smul.u32 $0xF7A, s1;
	s8 =	simm.s32 @!p0 $0x1BF5;
	p2 =	por !p2, p0  }
0x20: {  	[sflag:s8] =	ssyncset.s32 @!p0 $0xFFFFF086;
	s6 =	sadd.s32 @!p0 s3, s7;
	s7 =	simm.s32 @!p0 $0x108  }
0x21: {  	s3 =	sadd.s32 s3, s9;
	s6 =	sadd.s32 @!p0 $0x88, s6;
	s7 =	simm.s32 @p2 $0x1082  }
0x22: {  	[simem:s7], [sflag:s8] =	dma.local @!p0 [hbm:s6], $0xF7A  }
0x23: {  	s9 =	sor.u32 $0xD0000000, s2;
	s6 =	simm.s32 $0x108;
	_ =	swait.ge @!p0 [sflag:s8], $0x0  }
0x24: {  	s3 =	sadd.s32 $0x88, s3;
	s6 =	simm.s32 @!p1 $0x1082;
	[sflag:s4] =	ssyncset.s32 $0xFFFFF086  }
0x25: {  	[simem:s6], [sflag:s4] =	dma.local [hbm:s3], $0xF7A  }
0x26: {  	[smem:$0x3F9E] =	sst s1;
	(tag) =	ssettag s2;
	_ =	strace s9  }
0x27: {  	s1 =	sld [smem:$0x3FAE]  }
0x28: {  	s2 =	sld [smem:$0x3FAF]  }
0x29: {  	s4 =	sld [smem:$0x3FB1]  }
0x2a: {  	p0 =	seq.s32 s5, $0x0;
	s5 =	sld [smem:$0x3FB2]  }
0x2b: {  	s6 =	sld [smem:$0x3FB3]  }
0x2c: {  	s7 =	sld [smem:$0x3FB4]  }
0x2d: {  	s3 =	simm.s32 $0x108;
	s8 =	sld [smem:$0x3FB5]  }
0x2e: {  	s3 =	simm.s32 @!p0 $0x1082;
	s9 =	sld [smem:$0x3FB6]  }
0x2f: {  	lr =	sadd.s32 s0, s3;
	s0 =	sld [smem:$0x3FAD]  }
0x30: {  	s3 =	sld [smem:$0x3FB0]  }
0x31: {  	[smem:$0x3FB9] =	sst s10  }
0x32: {  	s10 =	sld [smem:$0x3FB7];
	_ =	sdelay $0x3  }
0x33: {  	p0 =	seq.s32 s10, $0x1;
	s10 =	sld [smem:$0x3FB9];
	_ =	sdelay $0x3  }
0x34: {  	[smem:$0x3FB9] =	sst s10  }
0x35: {  	s10 =	sld [smem:$0x3FB8];
	_ =	sdelay $0x3  }
0x36: {  	p1 =	seq.s32 s10, $0x1;
	s10 =	sld [smem:$0x3FB9];
	_ =	sdelay $0x3  }
0x37: {  	[smem:$0x3FB9] =	sst s10  }
0x38: {  	s10 =	sld [smem:$0x3FBA]  }
0x39: {  	_ = 	snop;
	(pc) =	sbr.ind lr, $3  }
0x3a: {  	_ = 	snop  }
0x3b: {  	_ = 	snop  }
0x3c: {  	p2 =	seq.s32 s10, $0x1;
	s10 =	sld [smem:$0x3FB9]  }
0x3d: {  	_ =	shalt  }
0x3e: {  	_ =	shalt  }
0x3f: {  	_ =	shalt  }
0x40: {  	_ =	shalt  }
0x41: {  	_ =	shalt  }
0x42: {  	_ =	shalt  }
0x43: {  	_ =	shalt  }
0x44: {  	_ =	shalt  }
0x45: {  	_ =	shalt  }
0x46: {  	_ =	shalt  }
0x47: {  	_ =	shalt  }
0x48: {  	_ =	shalt  }
0x49: {  	_ =	shalt  }
0x4a: {  	_ =	shalt  }
0x4b: {  	_ =	shalt  }
0x4c: {  	_ =	shalt  }
0x4d: {  	_ =	shalt  }
0x4e: {  	_ =	shalt  }
0x4f: {  	_ =	shalt  }
0x50: {  	_ =	shalt  }
0x51: {  	_ =	shalt  }
0x52: {  	_ =	shalt  }
0x53: {  	_ =	shalt  }
0x54: {  	_ =	shalt  }
0x55: {  	_ =	shalt  }
0x56: {  	_ =	shalt  }
0x57: {  	_ =	shalt  }
0x58: {  	_ =	shalt  }
0x59: {  	_ =	shalt  }
0x5a: {  	_ =	shalt  }
0x5b: {  	_ =	shalt  }
0x5c: {  	_ =	shalt  }
0x5d: {  	_ =	shalt  }
0x5e: {  	_ =	shalt  }
0x5f: {  	_ =	shalt  }
0x60: {  	_ =	shalt  }
0x61: {  	_ =	shalt  }
0x62: {  	_ =	shalt  }
0x63: {  	_ =	shalt  }
0x64: {  	_ =	shalt  }
0x65: {  	_ =	shalt  }
0x66: {  	_ =	shalt  }
0x67: {  	_ =	shalt  }
0x68: {  	_ =	shalt  }
0x69: {  	_ =	shalt  }
0x6a: {  	_ =	shalt  }
0x6b: {  	_ =	shalt  }
0x6c: {  	_ =	shalt  }
0x6d: {  	_ =	shalt  }
0x6e: {  	_ =	shalt  }
0x6f: {  	_ =	shalt  }
0x70: {  	_ =	shalt  }
0x71: {  	_ =	shalt  }
0x72: {  	_ =	shalt  }
0x73: {  	_ =	shalt  }
0x74: {  	_ =	shalt  }
0x75: {  	_ =	shalt  }
0x76: {  	_ =	shalt  }
0x77: {  	_ =	shalt  }
0x78: {  	_ =	shalt  }
0x79: {  	_ =	shalt  }
0x7a: {  	_ =	shalt  }
0x7b: {  	_ =	shalt  }
0x7c: {  	_ =	shalt  }
0x7d: {  	_ =	shalt  }
0x7e: {  	_ =	shalt  }
0x7f: {  	_ =	shalt  }
0x80: {  	_ =	shalt  }
0x81: {  	_ =	shalt  }
0x82: {  	_ =	shalt  }
0x83: {  	_ =	shalt  }
0x84: {  	_ =	shalt  }
0x85: {  	_ =	shalt  }
0x86: {  	_ =	shalt  }
0x87: {  	_ =	shalt  }
.Lfunc_end0:
.L_simem_size_0:
called_computation_lowered:
.L_overlay_start_0:
0x88: {  	s2 =	sld [smem:$0x3FD9]  }
0x89: {  	s3 =	sld [smem:$0x3FFE];
	_ =	sdelay $0x1  }
0x8a: {  	s1 =	srdreg.scid  }
0x8b: {  	s0 =	sand.u32 $0x1, s1  }
0x8c: {  	s18 =	sshll.u32 s0, $0xA;
	s2 =	sadd.s32 s3, s2  }
0x8d: {  	s2 =	sadd.s32 s2, s18  }
0x8e: {  	[smem:$0x3FC5] =	sst s2  }
0x8f: {  	_ = 	snop  }
0x90: {  	s2 =	sld [smem:$0x3FC9]  }
0x91: {  	s19 =	sld [smem:$0x3FC8]  }
0x92: {  	s4 =	sld [smem:$0x3FC7]  }
0x93: {  	s5 =	sld [smem:$0x3FD0];
	(tm) =	ssettm $0x1  }
0x94: {  	s6 =	sld [smem:$0x3FFB];
	_ =	sdelay $0x3  }
0x95: {  	_ =	strace s6  }
0x96: {  	s6 =	sld [smem:$0x3FFC];
	_ =	sdelay $0x3  }
0x97: {  	_ =	strace s6  }
0x98: {  	s6 =	sld [smem:$0x3FFD];
	_ =	sdelay $0x3  }
0x99: {  	_ =	strace s6  }
0x9a: {  	_ =	strace $0x8FFFFFFF  }
0x9b: {  	s20 =	sld [smem:$0x3FDB];
	_ =	sdelay $0x1  }
0x9c: {  	s7 =	simm.s32 $_scs_section_size  }
0x9d: {  	s8 =	simm.s32 $_size__tile_overlayer_lowered;
	s9 =	simm.s32 $_tile_overlayer_lowered  }
0x9e: {  	s23 =	simm.s32 $0x1BFF;
	s22 =	sshll.u32 s9, $0x1;
	s6 =	sadd.s32 s7, s20  }
0x9f: {  	s10 =	simm.s32 $0x0;
	s21 =	sshll.u32 s8, $0x1;
	s8 =	sadd.s32 s22, s6  }
0xa0: {  	[timem:s10], [sflag:s23] =	dma.local [hbm:s8], s21  }
0xa1: {  	_ =	swait.ge [sflag:s23], s21  }
0xa2: {  	s7 =	ssub.s32 $0x0, s21;
	[sflag:s23] =	ssyncset.done $0x0  }
0xa3: {  	[sflag:s23] =	ssyncadd.s32 s7;
	_ =	sdelay $0x1  }
0xa4: {  	s24 =	simm.s32 $0x1B8B  }
0xa5: {  	_ =	swait.ge [sflag:s24], $0x1  }
0xa6: {  	[sflag:s24] =	ssyncset.done $0x0  }
0xa7: {  	s25 =	simm.s32 $0x1B8E;
	[sflag:s24] =	ssyncadd.s32 $0xFFFFFFFF  }
0xa8: {  	s26 =	simm.s32 $execute0_lowered;
	[smem:$0x3FD2] =	sst s25  }
0xa9: {  	s7 =	sshll.u32 s26, $0x1;
	_ =	strace $0x80000046;
	[dreg:$0x1] =	wrdreg $0xFFFFFFFF  }
0xaa: {  	s28 =	simm.s32 $_size_execute0_lowered;
	s6 =	sadd.s32 s6, s7;
	[dreg:$0x0] =	wrdreg $0x0  }
0xab: {  	s7 =	sshll.u32 s28, $0x1;
	[dreg:$0x2] =	wrdreg s6  }
0xac: {  	[dreg:$0x3] =	wrdreg s7  }
0xad: {  	[dreg:$0x4] =	wrdreg $0xC0  }
0xae: {  	_ =	task [dreg:s10], $0x5FFFF  }
0xaf: {  	[dreg:$0x1] =	wrdreg $0xFFFFFFFF  }
0xb0: {  	[dreg:$0x0] =	wrdreg $0x60  }
0xb1: {  	[dreg:$0x2] =	wrdreg s2  }
0xb2: {  	[dreg:$0x3] =	wrdreg s19  }
0xb3: {  	[dreg:$0x4] =	wrdreg s4  }
0xb4: {  	[dreg:$0x5] =	wrdreg s5  }
0xb5: {  	[dreg:$0x6] =	wrdreg $0x9  }
0xb6: {  	_ =	task.clear_ibuf [dreg:s10], $0x7FFFF;
	_ =	strace $0x90000046  }
0xb7: {  	s29 =	simm.s32 $0x9;
	_ =	strace $0x80000048  }
0xb8: {  	_ =	swait.ge [sflag:s29], $0x1  }
0xb9: {  	[sflag:s29] =	ssyncadd.s32 $0xFFFFFFFF  }
0xba: {  	_ =	strace $0x90000048  }
0xbb: {  	_ =	sfence  }
0xbc: {  	s30 =	sld [smem:$0x0];
	_ =	sdelay $0x2  }
0xbd: {  	s31 =	sshll.u32 s1, $0xD;
	s1 =	sshrl.u32 s1, $0x2  }
0xbe: {  	s3 =	sand.u32 $0x4000, s31;
	s1 =	sadd.s32 s1, s30  }
0xbf: {  	s0 =	sor.u32 s3, s0;
	s1 =	sshll.u32 s1, $0x11  }
0xc0: {  	s0 =	sor.u32 s1, s0  }
0xc1: {  	s0 =	sadd.s32 $0x8F2B, s0  }
0xc2: {  	[sflag:s0] =	ssyncadd.remote.s32 $0x1  }
0xc3: {  	_ =	sfence.sel $0xFFFF  }
0xc4: {  	[dreg:$0x0] =	wrdreg $0xFFFFFFFF;
	(pc) =	sbr.abs _section_cstart, $3  }
0xc5: {  	[dreg:$0x1] =	wrdreg $0xFFFFFFFF  }
0xc6: {  	_ =	task.clear_ibuf [dreg:s10], $0x2FFFF;
	_ =	strace $0x9FFFFFFF  }
0xc7: {  	(tm) =	ssettm $0x7FFFFFFF  }
tec
execute0_lowered:
.L_overlay_start_1:
0x0: {  	(tag) =	ssettag $0x1  }
0x1: {  	s0 =	rddreg [dreg:$0x0]  }
0x2: {  	s5 =	rddreg [dreg:$0x3];
	s1 =	srdreg.scid  }
0x3: {  	s4 =	simm.s32 $0x0;
	s3 =	stileid.u32;
	s20 =	simm.s32 $0x200  }
0x4: {  	s21 =	simm.s32 $0x400;
	s28 =	simm.s32 $0x14800;
	s29 =	simm.s32 $0x14C00  }
0x5: {  	s30 =	simm.s32 $0x80;
	s31 =	simm.s32 $0x15000;
	s19 =	simm.s32 $0x3  }
0x6: {  	s1 =	sand.u32 $0x1, s1;
	s3 =	sshll.u32 s3, $0x8;
	[smem:$0x7FF] =	sst s4  }
0x7: {  	s8 =	sadd.s32 $0x40, s0;
	s9 =	sadd.s32 $0x10, s5;
	s10 =	sadd.s32 $0x20, s5  }
0x8: {  	s11 =	sadd.s32 $0x30, s5;
	s12 =	sadd.s32 $0x1000, s0;
	s13 =	sadd.s32 $0x40, s5  }
0x9: {  	s14 =	sadd.s32 $0x50, s5;
	s15 =	sadd.s32 $0x60, s5;
	s16 =	sadd.s32 $0x70, s5  }
0xa: {  	s4 =	simm.s32 $0x0;
	s2 =	ssub.s32 $0x2, s1;
	s1 =	sshll.u32 s1, $0x7  }
0xb: {  	_ =	strace $0x80000047;
	s23 =	sshrl.u32 s2, $0x1;
	s6 =	sor.u32 s1, s3  }
0xc: {  	s3 =	simm.s32 $0x15800;
	s24 =	ssub.s32 s2, s23;
	s25 =	sshll.u32 s6, $0xA  }
0xd: {  	s1 =	simm.s32 $0x15C00;
	s2 =	sadd.s32 s0, s25;
	s26 =	smax.u32 s24, $0x1  }
0xe: {  	s24 =	simm.s32 $0x1;
	s25 =	simm.s32 $0x14000;
	[dreg:$0x5] =	wrdreg s2  }
0xf: {  	v0 =	vimm.f32 $0.0e+00;
	s0 =	simm.s32 $0x15400;
	[dreg:$0x6] =	wrdreg s26;
	s26 =	simm.s32 $0x14400  }
.LBB2_1:
0x10: {  	[dreg:$0x7] =	wrdreg s4  }
0x11: {  	s2 =	rddreg [dreg:$0x2];
	s18 =	simm.s32 $0x0;
	s5 =	simm.s32 $0x4  }
0x12: {  	[tilespmem:s18], [sflag:$0x4] =	stream.linear.gather [hbm4b:s2+s18], $0x2000, $0x38;
	[tilespmem:$0x16000] =	vst v63  }
0x13: {  	_ =	swait.ge [sflag:s5], $0x2000  }
0x14: {  	[sflag:s5] =	ssyncset.done $0x0  }
0x15: {  	[sflag:s5] =	ssyncadd.s32 $0xFFFFE000  }
0x16: {  	s7 =	simm.s32 $0x2000;
	s22 =	rddreg [dreg:$0x1]  }
0x17: {  	[tilespmem:s7], [sflag:$0x4] =	stream.linear.gather [hbm4b:s22+s18], $0x2000, $0x38;
	[tilespmem:$0x16000] =	vst v63  }
0x18: {  	_ =	swait.ge [sflag:s5], $0x2000  }
0x19: {  	[sflag:s5] =	ssyncset.done $0x0  }
0x1a: {  	s23 =	simm.s32 $0x2020;
	[sflag:s5] =	ssyncadd.s32 $0xFFFFE000  }
0x1b: {  	s2 =	simm.s32 $0x20;
	v4 =	vld [tilespmem:s23+$0x10]  }
0x1c: {  	v5 =	vld [tilespmem:s2+$0x10]  }
0x1d: {  	v6 =	vld [tilespmem:s23+$0xFFFFFFE0]  }
0x1e: {  	v2 =	vld [tilespmem:s23+$0xFFFFFFF0]  }
0x1f: {  	v1 =	vld [tilespmem:s23+$0x0]  }
0x20: {  	v3 =	vld [tilespmem:s2+$0xFFFFFFF0];
	v7 =	vand.u32 $0x80000000, v4  }
0x21: {  	v4 =	vld [tilespmem:s2+$0x0];
	v7 =	vor.u32 v5, v7  }
0x22: {  	s4 =	simm.s32 $0x0;
	s7 =	simm.s32 $0x2060;
	s5 =	simm.s32 $0x20;
	v6 =	vand.u32 $0x80000000, v6;
	v5 =	vld [tilespmem:s2+$0xFFFFFFE0];
	[tilespmem:s2+$0x10] =	vst v7  }
.LBB2_2:
0x23: {  	v7 =	vld [tilespmem:s7+$0x10];
	s4 =	sadd.s32 $0x4, s4;
	v2 =	vand.u32 $0x80000000, v2;
	s2 =	sadd.s32 $0x40, s2  }
0x24: {  	v8 =	vld [tilespmem:s2+$0x10];
	p0 =	slt.u32 s4, $0x1FC;
	v1 =	vand.u32 $0x80000000, v1  }
0x25: {  	v9 =	vld [tilespmem:s7+$0xFFFFFFE0];
	v3 =	vor.u32 v3, v2  }
.Ltmp0:
0x26: {  	v2 =	vld [tilespmem:s7+$0xFFFFFFF0];
	[tilespmem:s5+$0xFFFFFFF0] =	vst v3;
	v3 =	vor.u32 v4, v1;
	(pc) =	sbr.rel @p0 .LBB2_2-.Ltmp0, $4  }
0x27: {  	v1 =	vld [tilespmem:s7+$0x0];
	v4 =	vor.u32 v5, v6;
	[tilespmem:s5+$0x0] =	vst v3  }
0x28: {  	v3 =	vld [tilespmem:s2+$0xFFFFFFF0];
	v5 =	vand.u32 $0x80000000, v7;
	[tilespmem:s5+$0xFFFFFFE0] =	vst v4;
	s5 =	smov.u32 s2  }
0x29: {  	v4 =	vld [tilespmem:s2+$0x0];
	v7 =	vor.u32 v8, v5  }
0x2a: {  	s7 =	sadd.s32 $0x40, s7;
	v5 =	vld [tilespmem:s2+$0xFFFFFFE0];
	v6 =	vand.u32 $0x80000000, v9;
	[tilespmem:s2+$0x10] =	vst v7  }
0x2b: {  	_ = 	snop  }
0x2c: {  	v2 =	vand.u32 $0x80000000, v2  }
0x2d: {  	v1 =	vand.u32 $0x80000000, v1;
	v2 =	vor.u32 v3, v2  }
0x2e: {  	[tilespmem:s5+$0xFFFFFFF0] =	vst v2;
	v1 =	vor.u32 v4, v1  }
0x2f: {  	v2 =	vor.u32 v5, v6;
	[tilespmem:s5+$0x0] =	vst v1  }
0x30: {  	[tilespmem:s5+$0xFFFFFFE0] =	vst v2  }
0x31: {  	s4 =	simm.s32 $0x4000;
	s5 =	simm.s32 $0x0;
	s2 =	rddreg [dreg:$0x5]  }
0x32: {  	[tilespmem:s4], [sflag:$0x1] =	stream.strided.gather [hbm4b:s2+s20], $0x8000, s21, s20, $0x38;
	[tilespmem:$0x16000] =	vst v63  }
.LBB2_4:
0x33: {  	s2 =	sshll.u32 s5, $0x3  }
0x34: {  	s7 =	sor.u32 s6, s2  }
0x35: {  	p0 =	seq.s32 s5, $0x0;
	s17 =	sshll.u32 s7, $0xA  }
0x36: {  	s4 =	simm.s32 $0xC000;
	s2 =	simm.s32 @!p0 $0x2;
	s22 =	sadd.s32 s17, s8  }
0x37: {  	[tilespmem:s4], [sflag:$0x1] =	stream.strided.gather [hbm4b:s22+s20], $0x8000, s21, s20, $0x38;
	[tilespmem:$0x16000] =	vst v63  }
0x38: {  	_ =	swait.ge @!p0 [sflag:s2], $0x400  }
0x39: {  	[sflag:s2] =	ssyncset.done @!p0 $0x0  }
0x3a: {  	[sflag:s2] =	ssyncadd.s32 @!p0 $0xFFFFFC00  }
0x3b: {  	_ =	swait.ge @!p0 [sflag:s2], $0x400  }
0x3c: {  	[sflag:s2] =	ssyncset.done @!p0 $0x0  }
0x3d: {  	[sflag:s2] =	ssyncadd.s32 @!p0 $0xFFFFFC00  }
0x3e: {  	_ =	swait.ge @!p0 [sflag:s2], $0x400  }
0x3f: {  	[sflag:s2] =	ssyncset.done @!p0 $0x0  }
0x40: {  	[sflag:s2] =	ssyncadd.s32 @!p0 $0xFFFFFC00  }
0x41: {  	_ =	swait.ge @!p0 [sflag:s2], $0x400  }
0x42: {  	[sflag:s2] =	ssyncset.done @!p0 $0x0  }
0x43: {  	s23 =	simm.s32 $0x14020;
	[sflag:s2] =	ssyncadd.s32 @!p0 $0xFFFFFC00  }
0x44: {  	[tilespmem:s23+$0xFFFFFFF0] =	vst v0  }
0x45: {  	[tilespmem:s23+$0x0] =	vst v0  }
0x46: {  	[tilespmem:s23+$0x10] =	vst v0  }
0x47: {  	s2 =	simm.s32 $0x14420;
	[tilespmem:s23+$0xFFFFFFE0] =	vst v0  }
0x48: {  	[tilespmem:s2+$0xFFFFFFF0] =	vst v0  }
0x49: {  	[tilespmem:s2+$0x0] =	vst v0  }
0x4a: {  	[tilespmem:s2+$0x10] =	vst v0  }
0x4b: {  	s18 =	simm.s32 $0x14820;
	[tilespmem:s2+$0xFFFFFFE0] =	vst v0  }
0x4c: {  	[tilespmem:s18+$0xFFFFFFF0] =	vst v0  }
0x4d: {  	[tilespmem:s18+$0x0] =	vst v0  }
0x4e: {  	[tilespmem:s18+$0x10] =	vst v0  }
0x4f: {  	s22 =	simm.s32 $0x14C20;
	[tilespmem:s18+$0xFFFFFFE0] =	vst v0  }
0x50: {  	[tilespmem:s22+$0xFFFFFFF0] =	vst v0  }
0x51: {  	[tilespmem:s22+$0x0] =	vst v0  }
0x52: {  	[tilespmem:s22+$0x10] =	vst v0  }
0x53: {  	s4 =	simm.s32 $0x0;
	s23 =	simm.s32 $0x14060;
	[tilespmem:s22+$0xFFFFFFE0] =	vst v0  }
.LBB2_5:
0x54: {  	[tilespmem:s23+$0xFFFFFFF0] =	vst v0;
	s2 =	sadd.s32 $0x40, s2  }
0x55: {  	s18 =	sadd.s32 $0x40, s18;
	[tilespmem:s2+$0xFFFFFFF0] =	vst v0  }
0x56: {  	s22 =	sadd.s32 $0x40, s22;
	[tilespmem:s18+$0xFFFFFFF0] =	vst v0  }
0x57: {  	[tilespmem:s22+$0xFFFFFFF0] =	vst v0  }
0x58: {  	[tilespmem:s23+$0x0] =	vst v0  }
0x59: {  	[tilespmem:s2+$0x0] =	vst v0  }
0x5a: {  	[tilespmem:s18+$0x0] =	vst v0  }
0x5b: {  	[tilespmem:s22+$0x0] =	vst v0  }
0x5c: {  	[tilespmem:s23+$0x10] =	vst v0  }
0x5d: {  	s4 =	sadd.s32 $0x4, s4;
	[tilespmem:s2+$0x10] =	vst v0  }
0x5e: {  	p0 =	slt.u32 s4, $0x3C;
	[tilespmem:s18+$0x10] =	vst v0  }
.Ltmp1:
0x5f: {  	[tilespmem:s22+$0x10] =	vst v0;
	(pc) =	sbr.rel @p0 .LBB2_5-.Ltmp1, $4  }
0x60: {  	[tilespmem:s23+$0xFFFFFFE0] =	vst v0  }
0x61: {  	[tilespmem:s2+$0xFFFFFFE0] =	vst v0  }
0x62: {  	[tilespmem:s18+$0xFFFFFFE0] =	vst v0  }
0x63: {  	s23 =	sadd.s32 $0x40, s23;
	[tilespmem:s22+$0xFFFFFFE0] =	vst v0  }
0x64: {  	_ =	swait.ge [sflag:s24], $0x8000  }
0x65: {  	[sflag:s24] =	ssyncset.done $0x0  }
0x66: {  	s2 =	simm.s32 $0x40;
	[sflag:s24] =	ssyncadd.s32 $0xFFFF8000  }
0x67: {  	v1 =	vld [tilespmem:s2+$0x30]  }
0x68: {  	v2 =	vld [tilespmem:s2+$0xFFFFFFD0]  }
0x69: {  	v3 =	vld [tilespmem:s2+$0xFFFFFFE0]  }
0x6a: {  	s18 =	simm.s32 $0x4100;
	v4 =	vld [tilespmem:s2+$0xFFFFFFF0]  }
0x6b: {  	v5 =	vld [tilespmem:s18+$0xFFFFFF70]  }
0x6c: {  	v6 =	vld [tilespmem:s2+$0x0]  }
0x6d: {  	v8 =	vld [tilespmem:s2+$0x10]  }
0x6e: {  	v10 =	vld [tilespmem:s2+$0xFFFFFFC0]  }
0x6f: {  	v9 =	vld [tilespmem:s2+$0x20]  }
0x70: {  	v11 =	vld [tilespmem:s18+$0xFFFFFF00]  }
0x71: {  	v12 =	vld [tilespmem:s18+$0xFFFFFF10]  }
0x72: {  	v13 =	vld [tilespmem:s18+$0xFFFFFF20];
	v7 =	vand.u32 $0x7FFFFFFF, v1  }
0x73: {  	v14 =	vld [tilespmem:s18+$0xFFFFFF30];
	v15 =	vand.u32 $0x7FFFFFFF, v10  }
0x74: {  	v16 =	vld [tilespmem:s18+$0xFFFFFF40];
	v17 =	vand.u32 $0x7FFFFFFF, v2  }
0x75: {  	v18 =	vld [tilespmem:s18+$0xFFFFFF50];
	v1 =	vand.u32 $0x80000000, v1;
	v19 =	vand.u32 $0x7FFFFFFF, v3  }
0x76: {  	v21 =	vld [tilespmem:s18+$0xFFFFFF60];
	v35 =	vand.u32 $0x7FFFFFFF, v4;
	v10 =	vand.u32 $0x80000000, v10;
	v5 =	vxor.u32 v1, v5  }
0x77: {  	v2 =	vand.u32 $0x80000000, v2;
	v11 =	vxor.u32 v10, v11;
	[tilespmem:v7+s25+$0x0] =	vst.idx.add.f32.msk $0xffff, v5  }
0x78: {  	v3 =	vand.u32 $0x80000000, v3;
	v36 =	vand.u32 $0x7FFFFFFF, v6;
	v12 =	vxor.u32 v2, v12;
	[tilespmem:v15+s25+$0x0] =	vst.idx.add.f32.msk $0xffff, v11  }
0x79: {  	v4 =	vand.u32 $0x80000000, v4;
	v37 =	vand.u32 $0x7FFFFFFF, v8;
	v13 =	vxor.u32 v3, v13;
	[tilespmem:v17+s25+$0x0] =	vst.idx.add.f32.msk $0xffff, v12  }
0x7a: {  	v38 =	vand.u32 $0x7FFFFFFF, v9;
	v14 =	vxor.u32 v4, v14;
	[tilespmem:v19+s25+$0x0] =	vst.idx.add.f32.msk $0xffff, v13  }
0x7b: {  	v6 =	vand.u32 $0x80000000, v6;
	[tilespmem:v35+s25+$0x0] =	vst.idx.add.f32.msk $0xffff, v14  }
0x7c: {  	v8 =	vand.u32 $0x80000000, v8;
	v40 =	vxor.u32 v6, v16;
	v5 =	vld [tilespmem:s18+$0xFFFFFFF0]  }
0x7d: {  	v9 =	vand.u32 $0x80000000, v9;
	v18 =	vxor.u32 v8, v18;
	[tilespmem:v36+s25+$0x0] =	vst.idx.add.f32.msk $0xffff, v40  }
0x7e: {  	v42 =	vxor.u32 v9, v21;
	[tilespmem:v37+s25+$0x0] =	vst.idx.add.f32.msk $0xffff, v18  }
0x7f: {  	[tilespmem:v38+s25+$0x0] =	vst.idx.add.f32.msk $0xffff, v42  }
0x80: {  	v43 =	vld [tilespmem:s18+$0xFFFFFF80]  }
0x81: {  	v47 =	vld [tilespmem:s18+$0xFFFFFFD0];
	v5 =	vxor.u32 v1, v5  }
0x82: {  	[tilespmem:v7+s26+$0x0] =	vst.idx.add.f32.msk $0xffff, v5  }
0x83: {  	v20 =	vld [tilespmem:s18+$0x70]  }
0x84: {  	v44 =	vld [tilespmem:s18+$0xFFFFFF90]  }
0x85: {  	v45 =	vld [tilespmem:s18+$0xFFFFFFB0]  }
0x86: {  	v46 =	vld [tilespmem:s18+$0xFFFFFFC0];
	v49 =	vxor.u32 v8, v47  }
0x87: {  	[tilespmem:v37+s26+$0x0] =	vst.idx.add.f32.msk $0xffff, v49  }
0x88: {  	v54 =	vld [tilespmem:s18+$0x50];
	v39 =	vxor.u32 v1, v20  }
0x89: {  	[tilespmem:v7+s28+$0x0] =	vst.idx.add.f32.msk $0xffff, v39  }
0x8a: {  	v41 =	vld [tilespmem:s18+$0xF0]  }
0x8b: {  	v48 =	vld [tilespmem:s18+$0xFFFFFFE0];
	v14 =	vxor.u32 v10, v43  }
0x8c: {  	v18 =	vxor.u32 v2, v44;
	[tilespmem:v15+s26+$0x0] =	vst.idx.add.f32.msk $0xffff, v14  }
0x8d: {  	[tilespmem:v17+s26+$0x0] =	vst.idx.add.f32.msk $0xffff, v18  }
0x8e: {  	v50 =	vld [tilespmem:s18+$0x10];
	v57 =	vxor.u32 v8, v54  }
0x8f: {  	[tilespmem:v37+s28+$0x0] =	vst.idx.add.f32.msk $0xffff, v57;
	v1 =	vxor.u32 v1, v41  }
0x90: {  	[tilespmem:v7+s29+$0x0] =	vst.idx.add.f32.msk $0xffff, v1  }
0x91: {  	v1 =	vld [tilespmem:s18+$0xFFFFFFA0]  }
0x92: {  	v62 =	vld [tilespmem:s18+$0xD0];
	v7 =	vxor.u32 v4, v45  }
0x93: {  	[tilespmem:v35+s26+$0x0] =	vst.idx.add.f32.msk $0xffff, v7  }
0x94: {  	v7 =	vxor.u32 v2, v50;
	v52 =	vld [tilespmem:s18+$0x30]  }
0x95: {  	[tilespmem:v17+s28+$0x0] =	vst.idx.add.f32.msk $0xffff, v7  }
0x96: {  	v58 =	vld [tilespmem:s18+$0x90];
	v1 =	vxor.u32 v3, v1  }
0x97: {  	[tilespmem:v19+s26+$0x0] =	vst.idx.add.f32.msk $0xffff, v1;
	v1 =	vxor.u32 v6, v46  }
0x98: {  	[tilespmem:v36+s26+$0x0] =	vst.idx.add.f32.msk $0xffff, v1  }
0x99: {  	v1 =	vxor.u32 v9, v48;
	v51 =	vld [tilespmem:s18+$0x20]  }
0x9a: {  	[tilespmem:v38+s26+$0x0] =	vst.idx.add.f32.msk $0xffff, v1  }
0x9b: {  	v1 =	vld [tilespmem:s18+$0x0]  }
0x9c: {  	v56 =	vxor.u32 v4, v52;
	v53 =	vld [tilespmem:s18+$0x40]  }
0x9d: {  	[tilespmem:v35+s28+$0x0] =	vst.idx.add.f32.msk $0xffff, v56  }
0x9e: {  	v55 =	vld [tilespmem:s18+$0x60]  }
0x9f: {  	v2 =	vxor.u32 v2, v58;
	v60 =	vld [tilespmem:s18+$0xB0]  }
0xa0: {  	[tilespmem:v17+s29+$0x0] =	vst.idx.add.f32.msk $0xffff, v2;
	v1 =	vxor.u32 v10, v1  }
0xa1: {  	[tilespmem:v15+s28+$0x0] =	vst.idx.add.f32.msk $0xffff, v1;
	v1 =	vxor.u32 v3, v51  }
0xa2: {  	[tilespmem:v19+s28+$0x0] =	vst.idx.add.f32.msk $0xffff, v1;
	v1 =	vxor.u32 v6, v53  }
0xa3: {  	[tilespmem:v36+s28+$0x0] =	vst.idx.add.f32.msk $0xffff, v1;
	v1 =	vxor.u32 v9, v55  }
0xa4: {  	[tilespmem:v38+s28+$0x0] =	vst.idx.add.f32.msk $0xffff, v1  }
0xa5: {  	v1 =	vld [tilespmem:s18+$0x80]  }
0xa6: {  	v59 =	vld [tilespmem:s18+$0xA0]  }
0xa7: {  	v61 =	vld [tilespmem:s18+$0xC0]  }
0xa8: {  	v2 =	vxor.u32 v4, v60;
	v63 =	vld [tilespmem:s18+$0xE0]  }
0xa9: {  	[tilespmem:v35+s29+$0x0] =	vst.idx.add.f32.msk $0xffff, v2;
	v2 =	vxor.u32 v8, v62  }
0xaa: {  	[tilespmem:v37+s29+$0x0] =	vst.idx.add.f32.msk $0xffff, v2;
	v1 =	vxor.u32 v10, v1  }
0xab: {  	[tilespmem:v15+s29+$0x0] =	vst.idx.add.f32.msk $0xffff, v1;
	v1 =	vxor.u32 v3, v59  }
0xac: {  	[tilespmem:v19+s29+$0x0] =	vst.idx.add.f32.msk $0xffff, v1;
	v1 =	vxor.u32 v6, v61  }
0xad: {  	[tilespmem:v36+s29+$0x0] =	vst.idx.add.f32.msk $0xffff, v1;
	v1 =	vxor.u32 v9, v63  }
0xae: {  	s22 =	simm.s32 $0xC0;
	s2 =	simm.s32 $0x0;
	[tilespmem:v38+s29+$0x0] =	vst.idx.add.f32.msk $0xffff, v1  }
.LBB2_7:
0xaf: {  	v7 =	vld [tilespmem:s22+$0x30];
	s2 =	sadd.s32 $0x8, s2  }
0xb0: {  	v1 =	vld [tilespmem:s22+$0xFFFFFFD0];
	p0 =	slt.u32 s2, $0x1F8  }
0xb1: {  	v2 =	vld [tilespmem:s22+$0xFFFFFFE0]  }
0xb2: {  	s18 =	sadd.s32 $0x200, s18;
	v3 =	vld [tilespmem:s22+$0xFFFFFFF0]  }
0xb3: {  	v8 =	vld [tilespmem:s18+$0xFFFFFF70]  }
0xb4: {  	v10 =	vld [tilespmem:s22+$0x0];
	v14 =	vand.u32 $0x7FFFFFFF, v7  }
0xb5: {  	v4 =	vand.u32 $0x80000000, v1;
	v1 =	vand.u32 $0x7FFFFFFF, v1;
	v12 =	vld [tilespmem:s22+$0x10]  }
0xb6: {  	v5 =	vand.u32 $0x80000000, v2;
	v2 =	vand.u32 $0x7FFFFFFF, v2;
	v13 =	vld [tilespmem:s22+$0x20]  }
0xb7: {  	v16 =	vand.u32 $0x80000000, v7;
	v15 =	vld [tilespmem:s22+$0xFFFFFFC0];
	v6 =	vand.u32 $0x80000000, v3;
	v3 =	vand.u32 $0x7FFFFFFF, v3  }
0xb8: {  	v17 =	vld [tilespmem:s18+$0xFFFFFF00];
	v8 =	vxor.u32 v16, v8  }
0xb9: {  	v9 =	vand.u32 $0x80000000, v10;
	v7 =	vand.u32 $0x7FFFFFFF, v10;
	[tilespmem:v14+s25+$0x0] =	vst.idx.add.f32.msk $0xffff, v8  }
0xba: {  	v11 =	vand.u32 $0x80000000, v12;
	v8 =	vand.u32 $0x7FFFFFFF, v12;
	v18 =	vld [tilespmem:s18+$0xFFFFFFF0]  }
0xbb: {  	v19 =	vld [tilespmem:s18+$0xFFFFFF10];
	v12 =	vand.u32 $0x80000000, v13;
	v10 =	vand.u32 $0x7FFFFFFF, v13  }
0xbc: {  	v20 =	vand.u32 $0x80000000, v15;
	v13 =	vand.u32 $0x7FFFFFFF, v15;
	v15 =	vld [tilespmem:s18+$0xFFFFFF20]  }
0xbd: {  	v17 =	vxor.u32 v20, v17;
	v21 =	vld [tilespmem:s18+$0xFFFFFF30]  }
0xbe: {  	v22 =	vld [tilespmem:s18+$0xFFFFFF40]  }
0xbf: {  	v23 =	vld [tilespmem:s18+$0xFFFFFF50];
	v18 =	vxor.u32 v16, v18  }
0xc0: {  	v19 =	vxor.u32 v4, v19;
	[tilespmem:v14+s26+$0x0] =	vst.idx.add.f32.msk $0xffff, v18  }
0xc1: {  	v15 =	vxor.u32 v5, v15;
	v18 =	vld [tilespmem:s18+$0x70]  }
0xc2: {  	v21 =	vxor.u32 v6, v21;
	v24 =	vld [tilespmem:s18+$0xFFFFFF60]  }
0xc3: {  	[tilespmem:v13+s25+$0x0] =	vst.idx.add.f32.msk $0xffff, v17;
	v17 =	vxor.u32 v9, v22  }
0xc4: {  	[tilespmem:v1+s25+$0x0] =	vst.idx.add.f32.msk $0xffff, v19;
	v19 =	vxor.u32 v11, v23  }
0xc5: {  	[tilespmem:v2+s25+$0x0] =	vst.idx.add.f32.msk $0xffff, v15  }
0xc6: {  	[tilespmem:v3+s25+$0x0] =	vst.idx.add.f32.msk $0xffff, v21;
	v15 =	vxor.u32 v16, v18  }
0xc7: {  	v18 =	vxor.u32 v12, v24;
	[tilespmem:v14+s28+$0x0] =	vst.idx.add.f32.msk $0xffff, v15  }
0xc8: {  	v15 =	vld [tilespmem:s18+$0xF0]  }
0xc9: {  	[tilespmem:v7+s25+$0x0] =	vst.idx.add.f32.msk $0xffff, v17  }
0xca: {  	[tilespmem:v8+s25+$0x0] =	vst.idx.add.f32.msk $0xffff, v19  }
0xcb: {  	[tilespmem:v10+s25+$0x0] =	vst.idx.add.f32.msk $0xffff, v18  }
0xcc: {  	v17 =	vld [tilespmem:s18+$0xFFFFFF80]  }
0xcd: {  	v18 =	vld [tilespmem:s18+$0xFFFFFF90];
	v15 =	vxor.u32 v16, v15  }
0xce: {  	[tilespmem:v14+s29+$0x0] =	vst.idx.add.f32.msk $0xffff, v15  }
0xcf: {  	v14 =	vld [tilespmem:s18+$0xFFFFFFA0]  }
0xd0: {  	v15 =	vld [tilespmem:s18+$0xFFFFFFB0]  }
0xd1: {  	v16 =	vxor.u32 v20, v17;
	v17 =	vld [tilespmem:s18+$0xFFFFFFC0]  }
0xd2: {  	v18 =	vxor.u32 v4, v18;
	v19 =	vld [tilespmem:s18+$0xFFFFFFD0]  }
0xd3: {  	v21 =	vld [tilespmem:s18+$0xFFFFFFE0]  }
0xd4: {  	[tilespmem:v13+s26+$0x0] =	vst.idx.add.f32.msk $0xffff, v16;
	v14 =	vxor.u32 v5, v14  }
0xd5: {  	[tilespmem:v1+s26+$0x0] =	vst.idx.add.f32.msk $0xffff, v18;
	v15 =	vxor.u32 v6, v15  }
0xd6: {  	[tilespmem:v2+s26+$0x0] =	vst.idx.add.f32.msk $0xffff, v14;
	v14 =	vxor.u32 v9, v17  }
0xd7: {  	[tilespmem:v3+s26+$0x0] =	vst.idx.add.f32.msk $0xffff, v15;
	v15 =	vxor.u32 v11, v19  }
0xd8: {  	[tilespmem:v7+s26+$0x0] =	vst.idx.add.f32.msk $0xffff, v14;
	v14 =	vxor.u32 v12, v21  }
0xd9: {  	[tilespmem:v8+s26+$0x0] =	vst.idx.add.f32.msk $0xffff, v15  }
0xda: {  	[tilespmem:v10+s26+$0x0] =	vst.idx.add.f32.msk $0xffff, v14  }
0xdb: {  	v14 =	vld [tilespmem:s18+$0x0]  }
0xdc: {  	v15 =	vld [tilespmem:s18+$0x10]  }
0xdd: {  	v16 =	vld [tilespmem:s18+$0x20]  }
0xde: {  	v17 =	vld [tilespmem:s18+$0x30]  }
0xdf: {  	v18 =	vld [tilespmem:s18+$0x40]  }
0xe0: {  	v14 =	vxor.u32 v20, v14;
	v19 =	vld [tilespmem:s18+$0x50]  }
0xe1: {  	v15 =	vxor.u32 v4, v15;
	v21 =	vld [tilespmem:s18+$0x60]  }
0xe2: {  	[tilespmem:v13+s28+$0x0] =	vst.idx.add.f32.msk $0xffff, v14;
	v14 =	vxor.u32 v5, v16  }
0xe3: {  	[tilespmem:v1+s28+$0x0] =	vst.idx.add.f32.msk $0xffff, v15;
	v15 =	vxor.u32 v6, v17  }
0xe4: {  	[tilespmem:v2+s28+$0x0] =	vst.idx.add.f32.msk $0xffff, v14;
	v14 =	vxor.u32 v9, v18  }
0xe5: {  	[tilespmem:v3+s28+$0x0] =	vst.idx.add.f32.msk $0xffff, v15;
	v15 =	vxor.u32 v11, v19  }
0xe6: {  	[tilespmem:v7+s28+$0x0] =	vst.idx.add.f32.msk $0xffff, v14;
	v14 =	vxor.u32 v12, v21  }
0xe7: {  	[tilespmem:v8+s28+$0x0] =	vst.idx.add.f32.msk $0xffff, v15  }
0xe8: {  	[tilespmem:v10+s28+$0x0] =	vst.idx.add.f32.msk $0xffff, v14  }
0xe9: {  	v14 =	vld [tilespmem:s18+$0x80]  }
0xea: {  	v15 =	vld [tilespmem:s18+$0x90]  }
0xeb: {  	v16 =	vld [tilespmem:s18+$0xA0]  }
0xec: {  	v17 =	vld [tilespmem:s18+$0xB0]  }
0xed: {  	v18 =	vld [tilespmem:s18+$0xC0]  }
0xee: {  	v14 =	vxor.u32 v20, v14;
	v19 =	vld [tilespmem:s18+$0xD0]  }
0xef: {  	v4 =	vxor.u32 v4, v15;
	v15 =	vld [tilespmem:s18+$0xE0]  }
0xf0: {  	[tilespmem:v13+s29+$0x0] =	vst.idx.add.f32.msk $0xffff, v14;
	v5 =	vxor.u32 v5, v16  }
0xf1: {  	[tilespmem:v1+s29+$0x0] =	vst.idx.add.f32.msk $0xffff, v4;
	v1 =	vxor.u32 v6, v17  }
.Ltmp2:
0xf2: {  	[tilespmem:v2+s29+$0x0] =	vst.idx.add.f32.msk $0xffff, v5;
	v2 =	vxor.u32 v9, v18;
	(pc) =	sbr.rel @p0 .LBB2_7-.Ltmp2, $4  }
0xf3: {  	[tilespmem:v3+s29+$0x0] =	vst.idx.add.f32.msk $0xffff, v1;
	v1 =	vxor.u32 v11, v19  }
0xf4: {  	[tilespmem:v7+s29+$0x0] =	vst.idx.add.f32.msk $0xffff, v2;
	v2 =	vxor.u32 v12, v15  }
0xf5: {  	[tilespmem:v8+s29+$0x0] =	vst.idx.add.f32.msk $0xffff, v1  }
0xf6: {  	s22 =	sadd.s32 $0x80, s22;
	[tilespmem:v10+s29+$0x0] =	vst.idx.add.f32.msk $0xffff, v2  }
0xf7: {  	s7 =	sshll.u32 s7, $0x7;
	s2 =	rddreg [dreg:$0x3]  }
0xf8: {  	s2 =	sadd.s32 s2, s7  }
0xf9: {  	[hbm4b:s2+s30] =	stream.strided.scatter [tilespmem:s25], [sflag:$0x2], $0x400, s21, s30, $0x38;
	[tilespmem:$0x16000] =	vst v63  }
0xfa: {  	s4 =	sadd.s32 s7, s9  }
0xfb: {  	[hbm4b:s4+s30] =	stream.strided.scatter [tilespmem:s26], [sflag:$0x2], $0x400, s21, s30, $0x38;
	[tilespmem:$0x16000] =	vst v63  }
0xfc: {  	p0 =	seq.s32 s5, $0xF;
	s18 =	sadd.s32 s7, s10;
	s22 =	sadd.s32 s7, s11  }
0xfd: {  	[hbm4b:s18+s30] =	stream.strided.scatter [tilespmem:s28], [sflag:$0x2], $0x400, s21, s30, $0x38;
	[tilespmem:$0x16000] =	vst v63  }
0xfe: {  	p1 =	seq.s32 @!p0 s5, $0x0;
	s2 =	sadd.s32 @!p0 s17, s12;
	s17 =	simm.s32 @!p0 $0x400  }
0xff: {  	[hbm4b:s22+s30] =	stream.strided.scatter [tilespmem:s29], [sflag:$0x2], $0x400, s21, s30, $0x38;
	[tilespmem:$0x16000] =	vst v63  }
0x100: {  	s2 =	sadd.s32 @!p0 $0x1000, s2;
	s4 =	simm.s32 @!p0 $0x200;
	s18 =	simm.s32 @!p0 $0x4000  }
0x101: {  	[tilespmem:s18], [sflag:$0x1] =	stream.strided.gather @!p0 [hbm4b:s2+s4], $0x8000, s17, s4, $0x38;
	[tilespmem:$0x16000] =	vst v63  }
0x102: {  	p0 =	por p0, !p1  }
0x103: {  	_ =	swait.ge @p0 [sflag:s19], $0x400  }
0x104: {  	[sflag:s19] =	ssyncset.done @p0 $0x0  }
0x105: {  	[sflag:s19] =	ssyncadd.s32 @p0 $0xFFFFFC00  }
0x106: {  	_ =	swait.ge @p0 [sflag:s19], $0x400  }
0x107: {  	[sflag:s19] =	ssyncset.done @p0 $0x0  }
0x108: {  	[sflag:s19] =	ssyncadd.s32 @p0 $0xFFFFFC00  }
0x109: {  	_ =	swait.ge @p0 [sflag:s19], $0x400  }
0x10a: {  	[sflag:s19] =	ssyncset.done @p0 $0x0  }
0x10b: {  	[sflag:s19] =	ssyncadd.s32 @p0 $0xFFFFFC00  }
0x10c: {  	_ =	swait.ge @p0 [sflag:s19], $0x400  }
0x10d: {  	[sflag:s19] =	ssyncset.done @p0 $0x0  }
0x10e: {  	s23 =	simm.s32 $0x15020;
	[sflag:s19] =	ssyncadd.s32 @p0 $0xFFFFFC00  }
0x10f: {  	[tilespmem:s23+$0xFFFFFFF0] =	vst v0  }
0x110: {  	[tilespmem:s23+$0x0] =	vst v0  }
0x111: {  	[tilespmem:s23+$0x10] =	vst v0  }
0x112: {  	s2 =	simm.s32 $0x15420;
	[tilespmem:s23+$0xFFFFFFE0] =	vst v0  }
0x113: {  	[tilespmem:s2+$0xFFFFFFF0] =	vst v0  }
0x114: {  	[tilespmem:s2+$0x0] =	vst v0  }
0x115: {  	[tilespmem:s2+$0x10] =	vst v0  }
0x116: {  	s17 =	simm.s32 $0x15820;
	[tilespmem:s2+$0xFFFFFFE0] =	vst v0  }
0x117: {  	[tilespmem:s17+$0xFFFFFFF0] =	vst v0  }
0x118: {  	[tilespmem:s17+$0x0] =	vst v0  }
0x119: {  	[tilespmem:s17+$0x10] =	vst v0  }
0x11a: {  	s18 =	simm.s32 $0x15C20;
	[tilespmem:s17+$0xFFFFFFE0] =	vst v0  }
0x11b: {  	[tilespmem:s18+$0xFFFFFFF0] =	vst v0  }
0x11c: {  	[tilespmem:s18+$0x0] =	vst v0  }
0x11d: {  	[tilespmem:s18+$0x10] =	vst v0  }
0x11e: {  	s22 =	simm.s32 $0x15060;
	s4 =	simm.s32 $0x0;
	[tilespmem:s18+$0xFFFFFFE0] =	vst v0  }
.LBB2_9:
0x11f: {  	[tilespmem:s22+$0xFFFFFFF0] =	vst v0;
	s2 =	sadd.s32 $0x40, s2  }
0x120: {  	s17 =	sadd.s32 $0x40, s17;
	[tilespmem:s2+$0xFFFFFFF0] =	vst v0  }
0x121: {  	s18 =	sadd.s32 $0x40, s18;
	[tilespmem:s17+$0xFFFFFFF0] =	vst v0  }
0x122: {  	[tilespmem:s18+$0xFFFFFFF0] =	vst v0  }
0x123: {  	[tilespmem:s22+$0x0] =	vst v0  }
0x124: {  	[tilespmem:s2+$0x0] =	vst v0  }
0x125: {  	[tilespmem:s17+$0x0] =	vst v0  }
0x126: {  	[tilespmem:s18+$0x0] =	vst v0  }
0x127: {  	[tilespmem:s22+$0x10] =	vst v0  }
0x128: {  	s4 =	sadd.s32 $0x4, s4;
	[tilespmem:s2+$0x10] =	vst v0  }
0x129: {  	p0 =	slt.u32 s4, $0x3C;
	[tilespmem:s17+$0x10] =	vst v0  }
.Ltmp3:
0x12a: {  	[tilespmem:s18+$0x10] =	vst v0;
	(pc) =	sbr.rel @p0 .LBB2_9-.Ltmp3, $4  }
0x12b: {  	[tilespmem:s22+$0xFFFFFFE0] =	vst v0  }
0x12c: {  	[tilespmem:s2+$0xFFFFFFE0] =	vst v0  }
0x12d: {  	[tilespmem:s17+$0xFFFFFFE0] =	vst v0  }
0x12e: {  	s22 =	sadd.s32 $0x40, s22;
	[tilespmem:s18+$0xFFFFFFE0] =	vst v0  }
0x12f: {  	_ =	swait.ge [sflag:s24], $0x8000  }
0x130: {  	[sflag:s24] =	ssyncset.done $0x0  }
0x131: {  	s2 =	simm.s32 $0x40;
	[sflag:s24] =	ssyncadd.s32 $0xFFFF8000  }
0x132: {  	v1 =	vld [tilespmem:s2+$0x30]  }
0x133: {  	v2 =	vld [tilespmem:s2+$0xFFFFFFD0]  }
0x134: {  	v3 =	vld [tilespmem:s2+$0xFFFFFFE0]  }
0x135: {  	s17 =	simm.s32 $0xC1F0;
	v4 =	vld [tilespmem:s2+$0xFFFFFFF0]  }
0x136: {  	v5 =	vld [tilespmem:s17+$0xFFFFFE80]  }
0x137: {  	v6 =	vld [tilespmem:s2+$0x0]  }
0x138: {  	v8 =	vld [tilespmem:s2+$0x10]  }
0x139: {  	v10 =	vld [tilespmem:s2+$0xFFFFFFC0]  }
0x13a: {  	v9 =	vld [tilespmem:s2+$0x20]  }
0x13b: {  	v11 =	vld [tilespmem:s17+$0xFFFFFE10]  }
0x13c: {  	v12 =	vld [tilespmem:s17+$0xFFFFFE20]  }
0x13d: {  	v13 =	vld [tilespmem:s17+$0xFFFFFE30];
	v7 =	vand.u32 $0x7FFFFFFF, v1  }
0x13e: {  	v14 =	vld [tilespmem:s17+$0xFFFFFE40];
	v15 =	vand.u32 $0x7FFFFFFF, v10  }
0x13f: {  	v16 =	vld [tilespmem:s17+$0xFFFFFE50];
	v17 =	vand.u32 $0x7FFFFFFF, v2  }
0x140: {  	v18 =	vld [tilespmem:s17+$0xFFFFFE60];
	v1 =	vand.u32 $0x80000000, v1;
	v19 =	vand.u32 $0x7FFFFFFF, v3  }
0x141: {  	v21 =	vld [tilespmem:s17+$0xFFFFFE70];
	v35 =	vand.u32 $0x7FFFFFFF, v4;
	v10 =	vand.u32 $0x80000000, v10;
	v5 =	vxor.u32 v1, v5  }
0x142: {  	v2 =	vand.u32 $0x80000000, v2;
	v11 =	vxor.u32 v10, v11;
	[tilespmem:v7+s31+$0x0] =	vst.idx.add.f32.msk $0xffff, v5  }
0x143: {  	v3 =	vand.u32 $0x80000000, v3;
	v36 =	vand.u32 $0x7FFFFFFF, v6;
	v12 =	vxor.u32 v2, v12;
	[tilespmem:v15+s31+$0x0] =	vst.idx.add.f32.msk $0xffff, v11  }
0x144: {  	v4 =	vand.u32 $0x80000000, v4;
	v37 =	vand.u32 $0x7FFFFFFF, v8;
	v13 =	vxor.u32 v3, v13;
	[tilespmem:v17+s31+$0x0] =	vst.idx.add.f32.msk $0xffff, v12  }
0x145: {  	v38 =	vand.u32 $0x7FFFFFFF, v9;
	v14 =	vxor.u32 v4, v14;
	[tilespmem:v19+s31+$0x0] =	vst.idx.add.f32.msk $0xffff, v13  }
0x146: {  	v6 =	vand.u32 $0x80000000, v6;
	[tilespmem:v35+s31+$0x0] =	vst.idx.add.f32.msk $0xffff, v14  }
0x147: {  	v8 =	vand.u32 $0x80000000, v8;
	v40 =	vxor.u32 v6, v16;
	v5 =	vld [tilespmem:s17+$0xFFFFFF00]  }
0x148: {  	v9 =	vand.u32 $0x80000000, v9;
	v18 =	vxor.u32 v8, v18;
	[tilespmem:v36+s31+$0x0] =	vst.idx.add.f32.msk $0xffff, v40  }
0x149: {  	v42 =	vxor.u32 v9, v21;
	[tilespmem:v37+s31+$0x0] =	vst.idx.add.f32.msk $0xffff, v18  }
0x14a: {  	[tilespmem:v38+s31+$0x0] =	vst.idx.add.f32.msk $0xffff, v42  }
0x14b: {  	v43 =	vld [tilespmem:s17+$0xFFFFFE90]  }
0x14c: {  	v47 =	vld [tilespmem:s17+$0xFFFFFEE0];
	v5 =	vxor.u32 v1, v5  }
0x14d: {  	[tilespmem:v7+s0+$0x0] =	vst.idx.add.f32.msk $0xffff, v5  }
0x14e: {  	v20 =	vld [tilespmem:s17+$0xFFFFFF80]  }
0x14f: {  	v44 =	vld [tilespmem:s17+$0xFFFFFEA0]  }
0x150: {  	v45 =	vld [tilespmem:s17+$0xFFFFFEC0]  }
0x151: {  	v46 =	vld [tilespmem:s17+$0xFFFFFED0];
	v49 =	vxor.u32 v8, v47  }
0x152: {  	[tilespmem:v37+s0+$0x0] =	vst.idx.add.f32.msk $0xffff, v49  }
0x153: {  	v54 =	vld [tilespmem:s17+$0xFFFFFF60];
	v39 =	vxor.u32 v1, v20  }
0x154: {  	[tilespmem:v7+s3+$0x0] =	vst.idx.add.f32.msk $0xffff, v39  }
0x155: {  	v41 =	vld [tilespmem:s17+$0x0]  }
0x156: {  	v48 =	vld [tilespmem:s17+$0xFFFFFEF0];
	v14 =	vxor.u32 v10, v43  }
0x157: {  	v18 =	vxor.u32 v2, v44;
	[tilespmem:v15+s0+$0x0] =	vst.idx.add.f32.msk $0xffff, v14  }
0x158: {  	[tilespmem:v17+s0+$0x0] =	vst.idx.add.f32.msk $0xffff, v18  }
0x159: {  	v50 =	vld [tilespmem:s17+$0xFFFFFF20];
	v57 =	vxor.u32 v8, v54  }
0x15a: {  	[tilespmem:v37+s3+$0x0] =	vst.idx.add.f32.msk $0xffff, v57;
	v1 =	vxor.u32 v1, v41  }
0x15b: {  	[tilespmem:v7+s1+$0x0] =	vst.idx.add.f32.msk $0xffff, v1  }
0x15c: {  	v1 =	vld [tilespmem:s17+$0xFFFFFEB0]  }
0x15d: {  	v62 =	vld [tilespmem:s17+$0xFFFFFFE0];
	v7 =	vxor.u32 v4, v45  }
0x15e: {  	[tilespmem:v35+s0+$0x0] =	vst.idx.add.f32.msk $0xffff, v7  }
0x15f: {  	v7 =	vxor.u32 v2, v50;
	v52 =	vld [tilespmem:s17+$0xFFFFFF40]  }
0x160: {  	[tilespmem:v17+s3+$0x0] =	vst.idx.add.f32.msk $0xffff, v7  }
0x161: {  	v58 =	vld [tilespmem:s17+$0xFFFFFFA0];
	v1 =	vxor.u32 v3, v1  }
0x162: {  	[tilespmem:v19+s0+$0x0] =	vst.idx.add.f32.msk $0xffff, v1;
	v1 =	vxor.u32 v6, v46  }
0x163: {  	[tilespmem:v36+s0+$0x0] =	vst.idx.add.f32.msk $0xffff, v1  }
0x164: {  	v1 =	vxor.u32 v9, v48;
	v51 =	vld [tilespmem:s17+$0xFFFFFF30]  }
0x165: {  	[tilespmem:v38+s0+$0x0] =	vst.idx.add.f32.msk $0xffff, v1  }
0x166: {  	v1 =	vld [tilespmem:s17+$0xFFFFFF10]  }
0x167: {  	v56 =	vxor.u32 v4, v52;
	v53 =	vld [tilespmem:s17+$0xFFFFFF50]  }
0x168: {  	[tilespmem:v35+s3+$0x0] =	vst.idx.add.f32.msk $0xffff, v56  }
0x169: {  	v55 =	vld [tilespmem:s17+$0xFFFFFF70]  }
0x16a: {  	v2 =	vxor.u32 v2, v58;
	v60 =	vld [tilespmem:s17+$0xFFFFFFC0]  }
0x16b: {  	[tilespmem:v17+s1+$0x0] =	vst.idx.add.f32.msk $0xffff, v2;
	v1 =	vxor.u32 v10, v1  }
0x16c: {  	[tilespmem:v15+s3+$0x0] =	vst.idx.add.f32.msk $0xffff, v1;
	v1 =	vxor.u32 v3, v51  }
0x16d: {  	[tilespmem:v19+s3+$0x0] =	vst.idx.add.f32.msk $0xffff, v1;
	v1 =	vxor.u32 v6, v53  }
0x16e: {  	[tilespmem:v36+s3+$0x0] =	vst.idx.add.f32.msk $0xffff, v1;
	v1 =	vxor.u32 v9, v55  }
0x16f: {  	[tilespmem:v38+s3+$0x0] =	vst.idx.add.f32.msk $0xffff, v1  }
0x170: {  	v1 =	vld [tilespmem:s17+$0xFFFFFF90]  }
0x171: {  	v59 =	vld [tilespmem:s17+$0xFFFFFFB0]  }
0x172: {  	v61 =	vld [tilespmem:s17+$0xFFFFFFD0]  }
0x173: {  	v2 =	vxor.u32 v4, v60;
	v63 =	vld [tilespmem:s17+$0xFFFFFFF0]  }
0x174: {  	[tilespmem:v35+s1+$0x0] =	vst.idx.add.f32.msk $0xffff, v2;
	v2 =	vxor.u32 v8, v62  }
0x175: {  	[tilespmem:v37+s1+$0x0] =	vst.idx.add.f32.msk $0xffff, v2;
	v1 =	vxor.u32 v10, v1  }
0x176: {  	[tilespmem:v15+s1+$0x0] =	vst.idx.add.f32.msk $0xffff, v1;
	v1 =	vxor.u32 v3, v59  }
0x177: {  	[tilespmem:v19+s1+$0x0] =	vst.idx.add.f32.msk $0xffff, v1;
	v1 =	vxor.u32 v6, v61  }
0x178: {  	[tilespmem:v36+s1+$0x0] =	vst.idx.add.f32.msk $0xffff, v1;
	v1 =	vxor.u32 v9, v63  }
0x179: {  	s18 =	simm.s32 $0xC0;
	s2 =	simm.s32 $0x0;
	[tilespmem:v38+s1+$0x0] =	vst.idx.add.f32.msk $0xffff, v1  }
.LBB2_11:
0x17a: {  	v7 =	vld [tilespmem:s18+$0x30];
	s2 =	sadd.s32 $0x8, s2  }
0x17b: {  	v1 =	vld [tilespmem:s18+$0xFFFFFFD0];
	p0 =	slt.u32 s2, $0x1F8  }
0x17c: {  	v2 =	vld [tilespmem:s18+$0xFFFFFFE0]  }
0x17d: {  	s17 =	sadd.s32 $0x200, s17;
	v3 =	vld [tilespmem:s18+$0xFFFFFFF0]  }
0x17e: {  	v8 =	vld [tilespmem:s17+$0xFFFFFE80]  }
0x17f: {  	v10 =	vld [tilespmem:s18+$0x0];
	v14 =	vand.u32 $0x7FFFFFFF, v7  }
0x180: {  	v4 =	vand.u32 $0x80000000, v1;
	v1 =	vand.u32 $0x7FFFFFFF, v1;
	v12 =	vld [tilespmem:s18+$0x10]  }
0x181: {  	v5 =	vand.u32 $0x80000000, v2;
	v2 =	vand.u32 $0x7FFFFFFF, v2;
	v13 =	vld [tilespmem:s18+$0x20]  }
0x182: {  	v16 =	vand.u32 $0x80000000, v7;
	v15 =	vld [tilespmem:s18+$0xFFFFFFC0];
	v6 =	vand.u32 $0x80000000, v3;
	v3 =	vand.u32 $0x7FFFFFFF, v3  }
0x183: {  	v17 =	vld [tilespmem:s17+$0xFFFFFE10];
	v8 =	vxor.u32 v16, v8  }
0x184: {  	v9 =	vand.u32 $0x80000000, v10;
	v7 =	vand.u32 $0x7FFFFFFF, v10;
	[tilespmem:v14+s31+$0x0] =	vst.idx.add.f32.msk $0xffff, v8  }
0x185: {  	v11 =	vand.u32 $0x80000000, v12;
	v8 =	vand.u32 $0x7FFFFFFF, v12;
	v18 =	vld [tilespmem:s17+$0xFFFFFF00]  }
0x186: {  	v19 =	vld [tilespmem:s17+$0xFFFFFE20];
	v12 =	vand.u32 $0x80000000, v13;
	v10 =	vand.u32 $0x7FFFFFFF, v13  }
0x187: {  	v20 =	vand.u32 $0x80000000, v15;
	v13 =	vand.u32 $0x7FFFFFFF, v15;
	v15 =	vld [tilespmem:s17+$0xFFFFFE30]  }
0x188: {  	v17 =	vxor.u32 v20, v17;
	v21 =	vld [tilespmem:s17+$0xFFFFFE40]  }
0x189: {  	v22 =	vld [tilespmem:s17+$0xFFFFFE50]  }
0x18a: {  	v23 =	vld [tilespmem:s17+$0xFFFFFE60];
	v18 =	vxor.u32 v16, v18  }
0x18b: {  	v19 =	vxor.u32 v4, v19;
	[tilespmem:v14+s0+$0x0] =	vst.idx.add.f32.msk $0xffff, v18  }
0x18c: {  	v15 =	vxor.u32 v5, v15;
	v18 =	vld [tilespmem:s17+$0xFFFFFF80]  }
0x18d: {  	v21 =	vxor.u32 v6, v21;
	v24 =	vld [tilespmem:s17+$0xFFFFFE70]  }
0x18e: {  	[tilespmem:v13+s31+$0x0] =	vst.idx.add.f32.msk $0xffff, v17;
	v17 =	vxor.u32 v9, v22  }
0x18f: {  	[tilespmem:v1+s31+$0x0] =	vst.idx.add.f32.msk $0xffff, v19;
	v19 =	vxor.u32 v11, v23  }
0x190: {  	[tilespmem:v2+s31+$0x0] =	vst.idx.add.f32.msk $0xffff, v15  }
0x191: {  	[tilespmem:v3+s31+$0x0] =	vst.idx.add.f32.msk $0xffff, v21;
	v15 =	vxor.u32 v16, v18  }
0x192: {  	v18 =	vxor.u32 v12, v24;
	[tilespmem:v14+s3+$0x0] =	vst.idx.add.f32.msk $0xffff, v15  }
0x193: {  	v15 =	vld [tilespmem:s17+$0x0]  }
0x194: {  	[tilespmem:v7+s31+$0x0] =	vst.idx.add.f32.msk $0xffff, v17  }
0x195: {  	[tilespmem:v8+s31+$0x0] =	vst.idx.add.f32.msk $0xffff, v19  }
0x196: {  	[tilespmem:v10+s31+$0x0] =	vst.idx.add.f32.msk $0xffff, v18  }
0x197: {  	v17 =	vld [tilespmem:s17+$0xFFFFFE90]  }
0x198: {  	v18 =	vld [tilespmem:s17+$0xFFFFFEA0];
	v15 =	vxor.u32 v16, v15  }
0x199: {  	[tilespmem:v14+s1+$0x0] =	vst.idx.add.f32.msk $0xffff, v15  }
0x19a: {  	v14 =	vld [tilespmem:s17+$0xFFFFFEB0]  }
0x19b: {  	v15 =	vld [tilespmem:s17+$0xFFFFFEC0]  }
0x19c: {  	v16 =	vxor.u32 v20, v17;
	v17 =	vld [tilespmem:s17+$0xFFFFFED0]  }
0x19d: {  	v18 =	vxor.u32 v4, v18;
	v19 =	vld [tilespmem:s17+$0xFFFFFEE0]  }
0x19e: {  	v21 =	vld [tilespmem:s17+$0xFFFFFEF0]  }
0x19f: {  	[tilespmem:v13+s0+$0x0] =	vst.idx.add.f32.msk $0xffff, v16;
	v14 =	vxor.u32 v5, v14  }
0x1a0: {  	[tilespmem:v1+s0+$0x0] =	vst.idx.add.f32.msk $0xffff, v18;
	v15 =	vxor.u32 v6, v15  }
0x1a1: {  	[tilespmem:v2+s0+$0x0] =	vst.idx.add.f32.msk $0xffff, v14;
	v14 =	vxor.u32 v9, v17  }
0x1a2: {  	[tilespmem:v3+s0+$0x0] =	vst.idx.add.f32.msk $0xffff, v15;
	v15 =	vxor.u32 v11, v19  }
0x1a3: {  	[tilespmem:v7+s0+$0x0] =	vst.idx.add.f32.msk $0xffff, v14;
	v14 =	vxor.u32 v12, v21  }
0x1a4: {  	[tilespmem:v8+s0+$0x0] =	vst.idx.add.f32.msk $0xffff, v15  }
0x1a5: {  	[tilespmem:v10+s0+$0x0] =	vst.idx.add.f32.msk $0xffff, v14  }
0x1a6: {  	v14 =	vld [tilespmem:s17+$0xFFFFFF10]  }
0x1a7: {  	v15 =	vld [tilespmem:s17+$0xFFFFFF20]  }
0x1a8: {  	v16 =	vld [tilespmem:s17+$0xFFFFFF30]  }
0x1a9: {  	v17 =	vld [tilespmem:s17+$0xFFFFFF40]  }
0x1aa: {  	v18 =	vld [tilespmem:s17+$0xFFFFFF50]  }
0x1ab: {  	v14 =	vxor.u32 v20, v14;
	v19 =	vld [tilespmem:s17+$0xFFFFFF60]  }
0x1ac: {  	v15 =	vxor.u32 v4, v15;
	v21 =	vld [tilespmem:s17+$0xFFFFFF70]  }
0x1ad: {  	[tilespmem:v13+s3+$0x0] =	vst.idx.add.f32.msk $0xffff, v14;
	v14 =	vxor.u32 v5, v16  }
0x1ae: {  	[tilespmem:v1+s3+$0x0] =	vst.idx.add.f32.msk $0xffff, v15;
	v15 =	vxor.u32 v6, v17  }
0x1af: {  	[tilespmem:v2+s3+$0x0] =	vst.idx.add.f32.msk $0xffff, v14;
	v14 =	vxor.u32 v9, v18  }
0x1b0: {  	[tilespmem:v3+s3+$0x0] =	vst.idx.add.f32.msk $0xffff, v15;
	v15 =	vxor.u32 v11, v19  }
0x1b1: {  	[tilespmem:v7+s3+$0x0] =	vst.idx.add.f32.msk $0xffff, v14;
	v14 =	vxor.u32 v12, v21  }
0x1b2: {  	[tilespmem:v8+s3+$0x0] =	vst.idx.add.f32.msk $0xffff, v15  }
0x1b3: {  	[tilespmem:v10+s3+$0x0] =	vst.idx.add.f32.msk $0xffff, v14  }
0x1b4: {  	v14 =	vld [tilespmem:s17+$0xFFFFFF90]  }
0x1b5: {  	v15 =	vld [tilespmem:s17+$0xFFFFFFA0]  }
0x1b6: {  	v16 =	vld [tilespmem:s17+$0xFFFFFFB0]  }
0x1b7: {  	v17 =	vld [tilespmem:s17+$0xFFFFFFC0]  }
0x1b8: {  	v18 =	vld [tilespmem:s17+$0xFFFFFFD0]  }
0x1b9: {  	v14 =	vxor.u32 v20, v14;
	v19 =	vld [tilespmem:s17+$0xFFFFFFE0]  }
0x1ba: {  	v4 =	vxor.u32 v4, v15;
	v15 =	vld [tilespmem:s17+$0xFFFFFFF0]  }
0x1bb: {  	[tilespmem:v13+s1+$0x0] =	vst.idx.add.f32.msk $0xffff, v14;
	v5 =	vxor.u32 v5, v16  }
0x1bc: {  	[tilespmem:v1+s1+$0x0] =	vst.idx.add.f32.msk $0xffff, v4;
	v1 =	vxor.u32 v6, v17  }
.Ltmp4:
0x1bd: {  	[tilespmem:v2+s1+$0x0] =	vst.idx.add.f32.msk $0xffff, v5;
	v2 =	vxor.u32 v9, v18;
	(pc) =	sbr.rel @p0 .LBB2_11-.Ltmp4, $4  }
0x1be: {  	[tilespmem:v3+s1+$0x0] =	vst.idx.add.f32.msk $0xffff, v1;
	v1 =	vxor.u32 v11, v19  }
0x1bf: {  	[tilespmem:v7+s1+$0x0] =	vst.idx.add.f32.msk $0xffff, v2;
	v2 =	vxor.u32 v12, v15  }
0x1c0: {  	[tilespmem:v8+s1+$0x0] =	vst.idx.add.f32.msk $0xffff, v1  }
0x1c1: {  	s18 =	sadd.s32 $0x80, s18;
	[tilespmem:v10+s1+$0x0] =	vst.idx.add.f32.msk $0xffff, v2  }
0x1c2: {  	s2 =	sadd.s32 s7, s13;
	s5 =	sadd.s32 $0x1, s5  }
0x1c3: {  	[hbm4b:s2+s30] =	stream.strided.scatter [tilespmem:s31], [sflag:$0x3], $0x400, s21, s30, $0x38;
	[tilespmem:$0x16000] =	vst v63  }
0x1c4: {  	s18 =	sadd.s32 s7, s14;
	p0 =	sne.s32 s5, $0x10  }
0x1c5: {  	[hbm4b:s18+s30] =	stream.strided.scatter [tilespmem:s0], [sflag:$0x3], $0x400, s21, s30, $0x38;
	[tilespmem:$0x16000] =	vst v63  }
.Ltmp5:
0x1c6: {  	_ = 	snop;
	(pc) =	sbr.rel @p0 .LBB2_4-.Ltmp5, $4  }
0x1c7: {  	s22 =	sadd.s32 s7, s15  }
0x1c8: {  	[hbm4b:s22+s30] =	stream.strided.scatter [tilespmem:s3], [sflag:$0x3], $0x400, s21, s30, $0x38;
	[tilespmem:$0x16000] =	vst v63  }
0x1c9: {  	s23 =	sadd.s32 s7, s16  }
0x1ca: {  	[hbm4b:s23+s30] =	stream.strided.scatter [tilespmem:s1], [sflag:$0x3], $0x400, s21, s30, $0x38;
	[tilespmem:$0x16000] =	vst v63  }
0x1cb: {  	s2 =	simm.s32 $0x2  }
0x1cc: {  	_ =	swait.ge [sflag:s2], $0x400  }
0x1cd: {  	[sflag:s2] =	ssyncset.done $0x0  }
0x1ce: {  	[sflag:s2] =	ssyncadd.s32 $0xFFFFFC00  }
0x1cf: {  	_ =	swait.ge [sflag:s2], $0x400  }
0x1d0: {  	[sflag:s2] =	ssyncset.done $0x0  }
0x1d1: {  	[sflag:s2] =	ssyncadd.s32 $0xFFFFFC00  }
0x1d2: {  	_ =	swait.ge [sflag:s2], $0x400  }
0x1d3: {  	[sflag:s2] =	ssyncset.done $0x0  }
0x1d4: {  	[sflag:s2] =	ssyncadd.s32 $0xFFFFFC00  }
0x1d5: {  	_ =	swait.ge [sflag:s2], $0x400  }
0x1d6: {  	[sflag:s2] =	ssyncset.done $0x0  }
0x1d7: {  	[sflag:s2] =	ssyncadd.s32 $0xFFFFFC00  }
0x1d8: {  	_ =	swait.ge [sflag:s19], $0x400  }
0x1d9: {  	[sflag:s19] =	ssyncset.done $0x0  }
0x1da: {  	[sflag:s19] =	ssyncadd.s32 $0xFFFFFC00  }
0x1db: {  	_ =	swait.ge [sflag:s19], $0x400  }
0x1dc: {  	[sflag:s19] =	ssyncset.done $0x0  }
0x1dd: {  	[sflag:s19] =	ssyncadd.s32 $0xFFFFFC00  }
0x1de: {  	_ =	swait.ge [sflag:s19], $0x400  }
0x1df: {  	[sflag:s19] =	ssyncset.done $0x0  }
0x1e0: {  	[sflag:s19] =	ssyncadd.s32 $0xFFFFFC00  }
0x1e1: {  	_ =	swait.ge [sflag:s19], $0x400  }
0x1e2: {  	s4 =	rddreg [dreg:$0x7]  }
0x1e3: {  	s23 =	rddreg [dreg:$0x6];
	s4 =	sadd.s32 $0x1, s4  }
0x1e4: {  	p0 =	sne.s32 s4, s23  }
.Ltmp6:
0x1e5: {  	_ = 	snop;
	(pc) =	sbr.rel @p0 .LBB2_1-.Ltmp6, $3  }
0x1e6: {  	_ =	sdelay $0x1  }
0x1e7: {  	[sflag:s19] =	ssyncset.done $0x0  }
0x1e8: {  	[sflag:s19] =	ssyncadd.s32 $0xFFFFFC00  }
0x1e9: {  	_ =	sfence.sel $0x180000  }
0x1ea: {  	[bflag:$0x0] =	sbarrier.arrive $0xFFFF  }
0x1eb: {  	_ =	strace $0x90000047  }
0x1ec: {  	s0 =	stileid.u32;
	[bflag:$0x2] =	sbarrier.arrive $0xFFFF  }
0x1ed: {  	p0 =	sne.s32 s0, $0x0;
	s0 =	rddreg [dreg:$0x4]  }
0x1ee: {  	s0 =	sadd.s32 @!p0 $0x100000, s0  }
0x1ef: {  	[sflag:s0] =	ssyncadd.tile.s32 @!p0 $0x1;
	_ =	shalt  }
.Lfunc_end2:
_tile_overlayer_lowered:
.L_overlay_start_2:
0x1f0: {  	(tag) =	ssettag $0x2  }
0x1f1: {  	s0 =	rddreg [dreg:$0x0];
	s2 =	stileid.u32  }
0x1f2: {  	s1 =	rddreg [dreg:$0x1];
	p0 =	sne.s32 s2, $0x0  }
0x1f3: {  	s3 =	rddreg [dreg:$0x2];
	[bflag:$0x3] =	sbarrier.arrive $0xFFFF;
	s2 =	simm.s32 @!p0 $0x1C04  }
0x1f4: {  	[timem:s3], [sflag:s2] =	dma.local @!p0 [hbm:s0], s1  }
0x1f5: {  	s0 =	simm.s32 @!p0 $0x4  }
0x1f6: {  	_ =	swait.ge @!p0 [sflag:s0], s1  }
0x1f7: {  	s1 =	ssub.s32 @!p0 $0x0, s1;
	[sflag:s0] =	ssyncset.done @!p0 $0x0  }
0x1f8: {  	[sflag:s0] =	ssyncadd.s32 @!p0 s1  }
0x1f9: {  	[bflag:$0x3] =	sbarrier.arrive $0xFFFF  }
0x1fa: {  	_ =	shalt  }

</sc_bundles>
